<compile_context>
chip_gen: v7x
topology: tpu7x:2x2x1
jax: 0.10.2.dev20260603
libtpu: 0.0.44.dev20260713+nightly
codegen_flags: <defaults>
</compile_context>

<pallas_src>
import functools

import jax
import jax.numpy as jnp
from jax import lax
from jax.experimental import pallas as pl
from jax.experimental.pallas import tpu as pltpu
from jax.experimental.pallas import tpu_sc as plsc

M = 4096
IN_DIM = 384
D = 512
K = 6
KPAD = 8
BLK = 256
NBLK = M // BLK
NEG = -1.0e30
SCALE = D ** -0.5


def _leaky(v):
    return jnp.where(v >= 0, v, v * 0.01)


def _mm(a, b):
    return lax.dot_general(a, b, (((1,), (0,)), ((), ())),
                           preferred_element_type=jnp.float32)



def _front_body(x_ref, w1_ref, b1_ref, wh_ref, bh_ref, wt_ref, bt_ref,
                eh_ref, etp_ref, idx_ref, h0s, cs, ehbs, etbs):
    p = pl.program_id(0)
    i = pl.program_id(1)
    rows = pl.ds(i * BLK, BLK)

    @pl.when(p == 0)
    def _():
        h = _leaky(_mm(x_ref[...], w1_ref[...]) + b1_ref[...])
        h0s[rows, :] = h

        @pl.when(i == 0)
        def _():
            cs[...] = jnp.zeros_like(cs)

        cs[...] += jnp.sum(h, axis=0, keepdims=True)

    @pl.when(p == 1)
    def _():
        h0 = (h0s[rows, :] + cs[...] * (1.0 / M)) * 0.5
        eh = _mm(h0, wh_ref[...]) + bh_ref[...]
        et = _mm(h0, wt_ref[...]) + bt_ref[...]
        eh_ref[...] = eh
        ehbs[rows, :] = eh.astype(jnp.bfloat16)
        etbs[rows, :] = et.astype(jnp.bfloat16)
        lo = lax.bitcast_convert_type(et[:, :D // 2], jnp.int32) + 0x8000
        hi = lax.bitcast_convert_type(et[:, D // 2:], jnp.int32) + 0x8000
        etp_ref[...] = ((lo >> 16) & 0xFFFF) | (hi & jnp.int32(-65536))

    @pl.when(p == 2)
    def _():
        logits = lax.dot_general(etbs[...], ehbs[rows, :],
                                 (((1,), (1,)), ((), ())),
                                 preferred_element_type=jnp.float32)
        bits = lax.bitcast_convert_type(logits, jnp.int32)
        mono = bits ^ ((bits >> 31) & jnp.int32(0x7FFFFFFF))
        rrow = lax.broadcasted_iota(jnp.int32, (M, BLK), 0) ^ jnp.int32(0xFFF)
        key = (mono & jnp.int32(-4096)) | rrow
        sub = lax.broadcasted_iota(jnp.int32, (KPAD, BLK), 0)
        acc = jnp.zeros((KPAD, BLK), jnp.int32)
        mk = jnp.max(key, axis=0, keepdims=True)
        for k in range(K):
            idx_k = (mk & jnp.int32(0xFFF)) ^ jnp.int32(0xFFF)
            acc = jnp.where(sub == k, idx_k, acc)
            if k + 1 < K:
                mk = jnp.max(jnp.where(key < mk, key,
                                       jnp.int32(-0x80000000)),
                             axis=0, keepdims=True)
        idx_ref[...] = acc


def _run_front(x2, fc1_W, fc1_b2, Wh_W, Wh_b2, Wt_W, Wt_b2):
    return pl.pallas_call(
        _front_body,
        grid=(3, NBLK),
        in_specs=[
            pl.BlockSpec((BLK, IN_DIM),
                         lambda p, i: (jnp.where(p == 0, i, NBLK - 1), 0)),
            pl.BlockSpec((IN_DIM, D), lambda p, i: (0, 0)),
            pl.BlockSpec((1, D), lambda p, i: (0, 0)),
            pl.BlockSpec((D, D), lambda p, i: (0, 0)),
            pl.BlockSpec((1, D), lambda p, i: (0, 0)),
            pl.BlockSpec((D, D), lambda p, i: (0, 0)),
            pl.BlockSpec((1, D), lambda p, i: (0, 0)),
        ],
        out_specs=[
            pl.BlockSpec((BLK, D), lambda p, i: (
                jnp.where(p == 1, i, jnp.where(p == 0, 0, NBLK - 1)), 0)),
            pl.BlockSpec((BLK, D // 2), lambda p, i: (
                jnp.where(p == 1, i, jnp.where(p == 0, 0, NBLK - 1)), 0)),
            pl.BlockSpec((KPAD, BLK),
                         lambda p, i: (0, jnp.where(p == 2, i, 0))),
        ],
        out_shape=[
            jax.ShapeDtypeStruct((M, D), jnp.float32),
            jax.ShapeDtypeStruct((M, D // 2), jnp.int32),
            jax.ShapeDtypeStruct((KPAD, M), jnp.int32),
        ],
        scratch_shapes=[
            pltpu.VMEM((M, D), jnp.float32),
            pltpu.VMEM((1, D), jnp.float32),
            pltpu.VMEM((M, D), jnp.bfloat16),
            pltpu.VMEM((M, D), jnp.bfloat16),
        ],
    )(x2, fc1_W, fc1_b2, Wh_W, Wh_b2, Wt_W, Wt_b2)



_SC_NC = 2
_SC_NS = 16
_NROW = K * M
_PER_W = _NROW // (_SC_NC * _SC_NS)
_CHUNK = 128
_NCHUNK = _PER_W // _CHUNK
_NBUF = 3


def _gather_sc(table, idx3):
    mesh = plsc.VectorSubcoreMesh(core_axis_name="c", subcore_axis_name="s",
                                  num_cores=_SC_NC, num_subcores=_SC_NS)

    @functools.partial(
        pl.kernel,
        out_type=jax.ShapeDtypeStruct((_NROW, D // 2), jnp.int32),
        mesh=mesh,
        scratch_types=[
            pltpu.VMEM((_NCHUNK, _CHUNK), jnp.int32),
        ] + [pltpu.VMEM((_CHUNK, D // 2), jnp.int32)] * _NBUF
          + [pltpu.SemaphoreType.DMA] * (2 * _NBUF),
    )
    def gather_kernel(table_hbm, idx_hbm, out_hbm, idx_v, *bufs_sems):
        rows = bufs_sems[:_NBUF]
        gsem = bufs_sems[_NBUF:2 * _NBUF]
        wsem = bufs_sems[2 * _NBUF:]
        wid = lax.axis_index("s") * _SC_NC + lax.axis_index("c")
        base = wid * _PER_W
        pltpu.sync_copy(idx_hbm.at[wid], idx_v)
        gathers = [None] * _NCHUNK
        writes = [None] * _NCHUNK
        for c in range(_NBUF):
            gathers[c] = pltpu.async_copy(table_hbm.at[idx_v.at[c]],
                                          rows[c], gsem[c])
        for c in range(_NCHUNK):
            b = c % _NBUF
            gathers[c].wait()
            writes[c] = pltpu.async_copy(
                rows[b], out_hbm.at[pl.ds(base + c * _CHUNK, _CHUNK)],
                wsem[b])
            if c + _NBUF < _NCHUNK:
                writes[c].wait()
                gathers[c + _NBUF] = pltpu.async_copy(
                    table_hbm.at[idx_v.at[c + _NBUF]], rows[b], gsem[b])
        for c in range(_NCHUNK - _NBUF, _NCHUNK):
            writes[c].wait()

    return gather_kernel(table, idx3)



def _fuse_body(eh_ref, n0, n1, n2, n3, n4, n5,
               w1_ref, b1_ref, w2_ref, b2_ref, g_ref, bb_ref,
               out_ref, acc_ref):
    i = pl.program_id(0)
    eh = eh_ref[...]
    eh_l = eh[:, :D // 2]
    eh_h = eh[:, D // 2:]
    ns = []
    for r in (n0, n1, n2, n3, n4, n5):
        word = r[...]
        n_l = lax.bitcast_convert_type(word << 16, jnp.float32)
        n_h = lax.bitcast_convert_type(word & jnp.int32(-65536), jnp.float32)
        ns.append((n_l, n_h))

    w = [(jnp.sum(eh_l * nl + eh_h * nh, axis=1, keepdims=True)) * SCALE
         for nl, nh in ns]
    mx = w[0]
    for k in range(1, K):
        mx = jnp.maximum(mx, w[k])
    ew = [jnp.exp(wk - mx) for wk in w]
    z = ew[0]
    for k in range(1, K):
        z = z + ew[k]
    p = [e / z for e in ew]

    a = []
    for (nl, nh), pk in zip(ns, p):
        nsum = jnp.sum(nl + nh, axis=1, keepdims=True)
        gsum = jnp.sum(jnp.tanh(pk * nl + (2.0 - pk) * eh_l)
                       + jnp.tanh(pk * nh + (2.0 - pk) * eh_h),
                       axis=1, keepdims=True)
        a.append(nsum * gsum)
    mx2 = a[0]
    for k in range(1, K):
        mx2 = jnp.maximum(mx2, a[k])
    ea = [jnp.exp(ak - mx2) for ak in a]
    z2 = ea[0]
    for k in range(1, K):
        z2 = z2 + ea[k]

    q = [e / z2 for e in ea]
    e_nh_l = q[0] * ns[0][0]
    e_nh_h = q[0] * ns[0][1]
    for k in range(1, K):
        e_nh_l = e_nh_l + q[k] * ns[k][0]
        e_nh_h = e_nh_h + q[k] * ns[k][1]

    e_nh = jnp.concatenate([e_nh_l, e_nh_h], axis=1)
    emb = (_leaky(_mm(eh + e_nh, w1_ref[...]) + b1_ref[...])
           + _leaky(_mm(eh * e_nh, w2_ref[...]) + b2_ref[...]))

    @pl.when(i == 0)
    def _():
        acc_ref[...] = jnp.zeros_like(acc_ref)

    acc_ref[...] += jnp.sum(emb, axis=0, keepdims=True)

    @pl.when(i == NBLK - 1)
    def _():
        h = acc_ref[...] * (1.0 / M)
        mu = jnp.mean(h, axis=1, keepdims=True)
        var = jnp.mean((h - mu) ** 2, axis=1, keepdims=True)
        out_ref[...] = ((h - mu) * lax.rsqrt(var + 1e-5) * g_ref[...]
                        + bb_ref[...])


def _run_fuse(e_h, nb, lin1_W, lin1_b2, lin2_W, lin2_b2, ln_g2, ln_b2):
    def nb_spec(k):
        return pl.BlockSpec((BLK, D // 2), lambda i, k=k: (k * NBLK + i, 0))

    return pl.pallas_call(
        _fuse_body,
        grid=(NBLK,),
        in_specs=[
            pl.BlockSpec((BLK, D), lambda i: (i, 0)),
            nb_spec(0), nb_spec(1), nb_spec(2), nb_spec(3), nb_spec(4),
            nb_spec(5),
            pl.BlockSpec((D, D), lambda i: (0, 0)),
            pl.BlockSpec((1, D), lambda i: (0, 0)),
            pl.BlockSpec((D, D), lambda i: (0, 0)),
            pl.BlockSpec((1, D), lambda i: (0, 0)),
            pl.BlockSpec((1, D), lambda i: (0, 0)),
            pl.BlockSpec((1, D), lambda i: (0, 0)),
        ],
        out_specs=pl.BlockSpec((1, D), lambda i: (0, 0)),
        out_shape=jax.ShapeDtypeStruct((1, D), jnp.float32),
        scratch_shapes=[pltpu.VMEM((1, D), jnp.float32)],
    )(e_h, nb, nb, nb, nb, nb, nb,
      lin1_W, lin1_b2, lin2_W, lin2_b2, ln_g2, ln_b2)


def kernel(x, fc1_W, fc1_b, Wh_W, Wh_b, Wt_W, Wt_b,
           lin1_W, lin1_b, lin2_W, lin2_b, ln_g, ln_b):
    x2 = x.reshape(M, IN_DIM)
    fc1_b2 = fc1_b.reshape(1, D)
    Wh_b2 = Wh_b.reshape(1, D)
    Wt_b2 = Wt_b.reshape(1, D)
    lin1_b2 = lin1_b.reshape(1, D)
    lin2_b2 = lin2_b.reshape(1, D)
    ln_g2 = ln_g.reshape(1, D)
    ln_b2 = ln_b.reshape(1, D)

    e_h, e_tp, idx8 = _run_front(x2, fc1_W, fc1_b2, Wh_W, Wh_b2, Wt_W,
                                 Wt_b2)
    idx3 = idx8[:K].reshape(_SC_NC * _SC_NS, _NCHUNK, _CHUNK)
    nb = _gather_sc(e_tp, idx3)
    out = _run_fuse(e_h, nb, lin1_W, lin1_b2, lin2_W, lin2_b2, ln_g2, ln_b2)
    return out.reshape(D)

# --- scband reference (transcript-rebuilt; emitter-appended) ---
"""Pipeline reference for scband-wikgmil-78855599554711 (READ-ONLY COPY).

The authoritative reference and input builder live on the scoring server;
editing this copy changes nothing except your own understanding.
"""

import jax, jax.numpy as jnp
import numpy as np

IN_DIM = 384
EMBED_DIM = 512
TOPK = 6
M = 4096
B = 1

def setup_inputs(seed: int = 0) -> dict:
    key = jax.random.key(seed)
    ks = jax.random.split(key, 16)
    s = 0.02
    inp = {}
    inp['x'] = jax.random.normal(ks[0], (B, M, IN_DIM), dtype=jnp.float32)
    inp['fc1_W'] = jax.random.normal(ks[1], (IN_DIM, EMBED_DIM), dtype=jnp.float32) * s
    inp['fc1_b'] = jnp.zeros((EMBED_DIM,), dtype=jnp.float32)
    inp['Wh_W'] = jax.random.normal(ks[2], (EMBED_DIM, EMBED_DIM), dtype=jnp.float32) * s
    inp['Wh_b'] = jnp.zeros((EMBED_DIM,), dtype=jnp.float32)
    inp['Wt_W'] = jax.random.normal(ks[3], (EMBED_DIM, EMBED_DIM), dtype=jnp.float32) * s
    inp['Wt_b'] = jnp.zeros((EMBED_DIM,), dtype=jnp.float32)
    inp['lin1_W'] = jax.random.normal(ks[4], (EMBED_DIM, EMBED_DIM), dtype=jnp.float32) * s
    inp['lin1_b'] = jnp.zeros((EMBED_DIM,), dtype=jnp.float32)
    inp['lin2_W'] = jax.random.normal(ks[5], (EMBED_DIM, EMBED_DIM), dtype=jnp.float32) * s
    inp['lin2_b'] = jnp.zeros((EMBED_DIM,), dtype=jnp.float32)
    inp['ln_g'] = jnp.ones((EMBED_DIM,), dtype=jnp.float32)
    inp['ln_b'] = jnp.zeros((EMBED_DIM,), dtype=jnp.float32)
    return inp

def _leaky(x):
    return jax.nn.leaky_relu(x, negative_slope=0.01)

def reference(x, fc1_W, fc1_b, Wh_W, Wh_b, Wt_W, Wt_b, lin1_W, lin1_b, lin2_W, lin2_b, ln_g, ln_b):
    scale = EMBED_DIM ** (-0.5)
    h0 = _leaky(x @ fc1_W + fc1_b)
    h0 = (h0 + jnp.mean(h0, axis=1, keepdims=True)) * 0.5
    e_h = h0 @ Wh_W + Wh_b
    e_t = h0 @ Wt_W + Wt_b
    attn_logit = jnp.matmul(e_h * scale, jnp.swapaxes(e_t, -2, -1))
    topk_weight, topk_index = jax.lax.top_k(attn_logit, TOPK)
    # gather neighbors: Nb_h[b,i,j,:] = e_t[b, topk_index[b,i,j], :]
    Nb_h = jax.vmap(lambda et, idx: jnp.take(et, idx, axis=0))(e_t, topk_index)
    topk_prob = jax.nn.softmax(topk_weight, axis=2)
    eh_r = topk_prob[..., None] * Nb_h + jnp.matmul((1.0 - topk_prob)[..., None], e_h[:, :, None, :])
    e_h_expand = jnp.broadcast_to(e_h[:, :, None, :], (e_h.shape[0], e_h.shape[1], TOPK, e_h.shape[2]))
    gate = jnp.tanh(e_h_expand + eh_r)
    ka_weight = jnp.einsum('ijkl,ijkm->ijk', Nb_h, gate)
    ka_prob = jax.nn.softmax(ka_weight, axis=2)[:, :, None, :]
    e_Nh = jnp.squeeze(jnp.matmul(ka_prob, Nb_h), axis=2)
    sum_embedding = _leaky((e_h + e_Nh) @ lin1_W + lin1_b)
    bi_embedding = _leaky((e_h * e_Nh) @ lin2_W + lin2_b)
    embedding = sum_embedding + bi_embedding
    # dropout is identity in eval mode
    h = jnp.squeeze(embedding, axis=0)
    h = jnp.mean(h, axis=0)  # global mean pool
    mu = jnp.mean(h, axis=-1, keepdims=True)
    var = jnp.var(h, axis=-1, keepdims=True)
    h = (h - mu) / jnp.sqrt(var + 1e-5) * ln_g + ln_b
    return h

if __name__ == "__main__":
    import jax
    _d = setup_inputs()
    print(jax.jit(kernel)(*tuple(_d.values())))

</pallas_src>

<mosaic_0001>
#map = affine_map<(d0, d1) -> (0, 0)>
#map1 = affine_map<(d0, d1) -> (0, 0, 0)>
module attributes {stable_mosaic.version = 14 : i64} {
  func.func @gather_kernel(%arg0: i32, %arg1: i32, %arg2: memref<4096x256xi32, #tpu.memory_space<hbm>>, %arg3: memref<32x6x128xi32, #tpu.memory_space<hbm>>, %arg4: memref<24576x256xi32, #tpu.memory_space<hbm>>, %arg5: memref<6x128xi32, #tpu.memory_space<vmem>>, %arg6: memref<128x256xi32, #tpu.memory_space<vmem>>, %arg7: memref<128x256xi32, #tpu.memory_space<vmem>>, %arg8: memref<128x256xi32, #tpu.memory_space<vmem>>, %arg9: memref<!tpu.dma_semaphore, #tpu.memory_space<semaphore_mem>>, %arg10: memref<!tpu.dma_semaphore, #tpu.memory_space<semaphore_mem>>, %arg11: memref<!tpu.dma_semaphore, #tpu.memory_space<semaphore_mem>>, %arg12: memref<!tpu.dma_semaphore, #tpu.memory_space<semaphore_mem>>, %arg13: memref<!tpu.dma_semaphore, #tpu.memory_space<semaphore_mem>>, %arg14: memref<!tpu.dma_semaphore, #tpu.memory_space<semaphore_mem>>) attributes {dimension_semantics = [#tpu.dimension_semantics<core_parallel>, #tpu.dimension_semantics<subcore_parallel>], iteration_bounds = array<i64: 2, 16>, scalar_prefetch = 0 : i64, scratch_operands = 10 : i64, tpu.core_type = #tpu.core_type<sc_vector_subcore>, window_params = [{transform_indices = #map}, {transform_indices = #map1}, {transform_indices = #map}]} {
    %mul3A = arith.constant 2 : i32
    %mul3A_0 = arith.muli %arg1, %mul3A : i32
    %add3A = arith.addi %mul3A_0, %arg0 : i32
    %mul3A_1 = arith.constant 768 : i32
    %mul3A_2 = arith.muli %add3A, %mul3A_1 : i32
    "tpu.region"() ({
      %run_scoped3A = tpu.sem_alloc : memref<!tpu.dma_semaphore, #tpu.memory_space<semaphore_mem>>
      %dma_start3A_145 = arith.constant 0 : i32
      %dma_start3A_146 = arith.constant 0 : i32
      %dma_start3A_147 = tpu.memref_slice %arg3[%add3A, %dma_start3A_145, %dma_start3A_146] : memref<32x6x128xi32, #tpu.memory_space<hbm>> -> memref<1x6x128xi32, #tpu.memory_space<hbm>>
      %dma_start3A_148 = tpu.memref_squeeze %dma_start3A_147 : memref<1x6x128xi32, #tpu.memory_space<hbm>> -> memref<6x128xi32, #tpu.memory_space<hbm>>
      %dma_start3A_149 = arith.constant 0 : i32
      %dma_start3A_150 = arith.constant 0 : i32
      %dma_start3A_151 = tpu.memref_slice %arg3[%add3A, %dma_start3A_149, %dma_start3A_150] : memref<32x6x128xi32, #tpu.memory_space<hbm>> -> memref<1x6x128xi32, #tpu.memory_space<hbm>>
      %dma_start3A_152 = tpu.memref_squeeze %dma_start3A_151 : memref<1x6x128xi32, #tpu.memory_space<hbm>> -> memref<6x128xi32, #tpu.memory_space<hbm>>
      tpu.enqueue_dma source(%dma_start3A_152 : memref<6x128xi32, #tpu.memory_space<hbm>>) target(%arg5 : memref<6x128xi32, #tpu.memory_space<vmem>>) target_semaphore(%run_scoped3A : memref<!tpu.dma_semaphore, #tpu.memory_space<semaphore_mem>>)
      %dma_wait3A_153 = arith.constant 0 : i32
      %dma_wait3A_154 = arith.constant 0 : i32
      %dma_wait3A_155 = tpu.memref_slice %arg3[%add3A, %dma_wait3A_153, %dma_wait3A_154] : memref<32x6x128xi32, #tpu.memory_space<hbm>> -> memref<1x6x128xi32, #tpu.memory_space<hbm>>
      %dma_wait3A_156 = tpu.memref_squeeze %dma_wait3A_155 : memref<1x6x128xi32, #tpu.memory_space<hbm>> -> memref<6x128xi32, #tpu.memory_space<hbm>>
      %dma_wait3A_157 = arith.constant 0 : i32
      %dma_wait3A_158 = arith.constant 0 : i32
      %dma_wait3A_159 = tpu.memref_slice %arg3[%add3A, %dma_wait3A_157, %dma_wait3A_158] : memref<32x6x128xi32, #tpu.memory_space<hbm>> -> memref<1x6x128xi32, #tpu.memory_space<hbm>>
      %dma_wait3A_160 = tpu.memref_squeeze %dma_wait3A_159 : memref<1x6x128xi32, #tpu.memory_space<hbm>> -> memref<6x128xi32, #tpu.memory_space<hbm>>
      tpu.wait_dma2 semaphore(%run_scoped3A : memref<!tpu.dma_semaphore, #tpu.memory_space<semaphore_mem>>) src(%dma_wait3A_160 : memref<6x128xi32, #tpu.memory_space<hbm>>) dst(%arg5 : memref<6x128xi32, #tpu.memory_space<vmem>>)
      tpu.yield
    }) : () -> ()
    %dma_start3A = arith.constant 0 : i32
    %dma_start3A_3 = arith.constant 0 : i32
    %dma_start3A_4 = tpu.memref_slice %arg5[%dma_start3A, %dma_start3A_3] : memref<6x128xi32, #tpu.memory_space<vmem>> -> memref<1x128xi32, #tpu.memory_space<vmem>>
    %dma_start3A_5 = tpu.memref_squeeze %dma_start3A_4 : memref<1x128xi32, #tpu.memory_space<vmem>> -> memref<128xi32, #tpu.memory_space<vmem>>
    %dma_start3A_6 = arith.constant 0 : i32
    %dma_start3A_7 = arith.constant 0 : i32
    %dma_start3A_8 = tpu.memref_slice %arg2[%dma_start3A_6, %dma_start3A_7] : memref<4096x256xi32, #tpu.memory_space<hbm>> -> memref<4096x256xi32, #tpu.memory_space<hbm>>
    tpu.enqueue_indirect_dma source(%dma_start3A_8 : memref<4096x256xi32, #tpu.memory_space<hbm>>) target(%arg6 : memref<128x256xi32, #tpu.memory_space<vmem>>) offsets(%dma_start3A_5 : memref<128xi32, #tpu.memory_space<vmem>>) semaphore(%arg9 : memref<!tpu.dma_semaphore, #tpu.memory_space<semaphore_mem>>)
    %dma_start3A_9 = arith.constant 1 : i32
    %dma_start3A_10 = arith.constant 0 : i32
    %dma_start3A_11 = tpu.memref_slice %arg5[%dma_start3A_9, %dma_start3A_10] : memref<6x128xi32, #tpu.memory_space<vmem>> -> memref<1x128xi32, #tpu.memory_space<vmem>>
    %dma_start3A_12 = tpu.memref_squeeze %dma_start3A_11 : memref<1x128xi32, #tpu.memory_space<vmem>> -> memref<128xi32, #tpu.memory_space<vmem>>
    %dma_start3A_13 = arith.constant 0 : i32
    %dma_start3A_14 = arith.constant 0 : i32
    %dma_start3A_15 = tpu.memref_slice %arg2[%dma_start3A_13, %dma_start3A_14] : memref<4096x256xi32, #tpu.memory_space<hbm>> -> memref<4096x256xi32, #tpu.memory_space<hbm>>
    tpu.enqueue_indirect_dma source(%dma_start3A_15 : memref<4096x256xi32, #tpu.memory_space<hbm>>) target(%arg7 : memref<128x256xi32, #tpu.memory_space<vmem>>) offsets(%dma_start3A_12 : memref<128xi32, #tpu.memory_space<vmem>>) semaphore(%arg10 : memref<!tpu.dma_semaphore, #tpu.memory_space<semaphore_mem>>)
    %dma_start3A_16 = arith.constant 2 : i32
    %dma_start3A_17 = arith.constant 0 : i32
    %dma_start3A_18 = tpu.memref_slice %arg5[%dma_start3A_16, %dma_start3A_17] : memref<6x128xi32, #tpu.memory_space<vmem>> -> memref<1x128xi32, #tpu.memory_space<vmem>>
    %dma_start3A_19 = tpu.memref_squeeze %dma_start3A_18 : memref<1x128xi32, #tpu.memory_space<vmem>> -> memref<128xi32, #tpu.memory_space<vmem>>
    %dma_start3A_20 = arith.constant 0 : i32
    %dma_start3A_21 = arith.constant 0 : i32
    %dma_start3A_22 = tpu.memref_slice %arg2[%dma_start3A_20, %dma_start3A_21] : memref<4096x256xi32, #tpu.memory_space<hbm>> -> memref<4096x256xi32, #tpu.memory_space<hbm>>
    tpu.enqueue_indirect_dma source(%dma_start3A_22 : memref<4096x256xi32, #tpu.memory_space<hbm>>) target(%arg8 : memref<128x256xi32, #tpu.memory_space<vmem>>) offsets(%dma_start3A_19 : memref<128xi32, #tpu.memory_space<vmem>>) semaphore(%arg11 : memref<!tpu.dma_semaphore, #tpu.memory_space<semaphore_mem>>)
    %dma_wait3A = arith.constant 0 : i32
    %dma_wait3A_23 = arith.constant 0 : i32
    %dma_wait3A_24 = tpu.memref_slice %arg5[%dma_wait3A, %dma_wait3A_23] : memref<6x128xi32, #tpu.memory_space<vmem>> -> memref<1x128xi32, #tpu.memory_space<vmem>>
    %dma_wait3A_25 = tpu.memref_squeeze %dma_wait3A_24 : memref<1x128xi32, #tpu.memory_space<vmem>> -> memref<128xi32, #tpu.memory_space<vmem>>
    %dma_wait3A_26 = arith.constant 0 : i32
    %dma_wait3A_27 = arith.constant 0 : i32
    %dma_wait3A_28 = tpu.memref_slice %arg2[%dma_wait3A_26, %dma_wait3A_27] : memref<4096x256xi32, #tpu.memory_space<hbm>> -> memref<4096x256xi32, #tpu.memory_space<hbm>>
    tpu.wait_indirect_dma semaphore(%arg9 : memref<!tpu.dma_semaphore, #tpu.memory_space<semaphore_mem>>) src(%dma_wait3A_28 : memref<4096x256xi32, #tpu.memory_space<hbm>>) dst(%arg6 : memref<128x256xi32, #tpu.memory_space<vmem>>)
    %add3A_29 = arith.constant 0 : i32
    %add3A_30 = arith.addi %mul3A_2, %add3A_29 : i32
    %dma_start3A_31 = arith.constant 0 : i32
    %dma_start3A_32 = tpu.memref_slice %arg4[%add3A_30, %dma_start3A_31] : memref<24576x256xi32, #tpu.memory_space<hbm>> -> memref<128x256xi32, #tpu.memory_space<hbm>>
    %dma_start3A_33 = arith.constant 0 : i32
    %dma_start3A_34 = tpu.memref_slice %arg4[%add3A_30, %dma_start3A_33] : memref<24576x256xi32, #tpu.memory_space<hbm>> -> memref<128x256xi32, #tpu.memory_space<hbm>>
    tpu.enqueue_dma source(%arg6 : memref<128x256xi32, #tpu.memory_space<vmem>>) target(%dma_start3A_34 : memref<128x256xi32, #tpu.memory_space<hbm>>) target_semaphore(%arg12 : memref<!tpu.dma_semaphore, #tpu.memory_space<semaphore_mem>>)
    %dma_wait3A_35 = arith.constant 0 : i32
    %dma_wait3A_36 = tpu.memref_slice %arg4[%add3A_30, %dma_wait3A_35] : memref<24576x256xi32, #tpu.memory_space<hbm>> -> memref<128x256xi32, #tpu.memory_space<hbm>>
    %dma_wait3A_37 = arith.constant 0 : i32
    %dma_wait3A_38 = tpu.memref_slice %arg4[%add3A_30, %dma_wait3A_37] : memref<24576x256xi32, #tpu.memory_space<hbm>> -> memref<128x256xi32, #tpu.memory_space<hbm>>
    tpu.wait_dma2 semaphore(%arg12 : memref<!tpu.dma_semaphore, #tpu.memory_space<semaphore_mem>>) src(%arg6 : memref<128x256xi32, #tpu.memory_space<vmem>>) dst(%dma_wait3A_38 : memref<128x256xi32, #tpu.memory_space<hbm>>)
    %dma_start3A_39 = arith.constant 3 : i32
    %dma_start3A_40 = arith.constant 0 : i32
    %dma_start3A_41 = tpu.memref_slice %arg5[%dma_start3A_39, %dma_start3A_40] : memref<6x128xi32, #tpu.memory_space<vmem>> -> memref<1x128xi32, #tpu.memory_space<vmem>>
    %dma_start3A_42 = tpu.memref_squeeze %dma_start3A_41 : memref<1x128xi32, #tpu.memory_space<vmem>> -> memref<128xi32, #tpu.memory_space<vmem>>
    %dma_start3A_43 = arith.constant 0 : i32
    %dma_start3A_44 = arith.constant 0 : i32
    %dma_start3A_45 = tpu.memref_slice %arg2[%dma_start3A_43, %dma_start3A_44] : memref<4096x256xi32, #tpu.memory_space<hbm>> -> memref<4096x256xi32, #tpu.memory_space<hbm>>
    tpu.enqueue_indirect_dma source(%dma_start3A_45 : memref<4096x256xi32, #tpu.memory_space<hbm>>) target(%arg6 : memref<128x256xi32, #tpu.memory_space<vmem>>) offsets(%dma_start3A_42 : memref<128xi32, #tpu.memory_space<vmem>>) semaphore(%arg9 : memref<!tpu.dma_semaphore, #tpu.memory_space<semaphore_mem>>)
    %dma_wait3A_46 = arith.constant 1 : i32
    %dma_wait3A_47 = arith.constant 0 : i32
    %dma_wait3A_48 = tpu.memref_slice %arg5[%dma_wait3A_46, %dma_wait3A_47] : memref<6x128xi32, #tpu.memory_space<vmem>> -> memref<1x128xi32, #tpu.memory_space<vmem>>
    %dma_wait3A_49 = tpu.memref_squeeze %dma_wait3A_48 : memref<1x128xi32, #tpu.memory_space<vmem>> -> memref<128xi32, #tpu.memory_space<vmem>>
    %dma_wait3A_50 = arith.constant 0 : i32
    %dma_wait3A_51 = arith.constant 0 : i32
    %dma_wait3A_52 = tpu.memref_slice %arg2[%dma_wait3A_50, %dma_wait3A_51] : memref<4096x256xi32, #tpu.memory_space<hbm>> -> memref<4096x256xi32, #tpu.memory_space<hbm>>
    tpu.wait_indirect_dma semaphore(%arg10 : memref<!tpu.dma_semaphore, #tpu.memory_space<semaphore_mem>>) src(%dma_wait3A_52 : memref<4096x256xi32, #tpu.memory_space<hbm>>) dst(%arg7 : memref<128x256xi32, #tpu.memory_space<vmem>>)
    %add3A_53 = arith.constant 128 : i32
    %add3A_54 = arith.addi %mul3A_2, %add3A_53 : i32
    %dma_start3A_55 = arith.constant 0 : i32
    %dma_start3A_56 = tpu.memref_slice %arg4[%add3A_54, %dma_start3A_55] : memref<24576x256xi32, #tpu.memory_space<hbm>> -> memref<128x256xi32, #tpu.memory_space<hbm>>
    %dma_start3A_57 = arith.constant 0 : i32
    %dma_start3A_58 = tpu.memref_slice %arg4[%add3A_54, %dma_start3A_57] : memref<24576x256xi32, #tpu.memory_space<hbm>> -> memref<128x256xi32, #tpu.memory_space<hbm>>
    tpu.enqueue_dma source(%arg7 : memref<128x256xi32, #tpu.memory_space<vmem>>) target(%dma_start3A_58 : memref<128x256xi32, #tpu.memory_space<hbm>>) target_semaphore(%arg13 : memref<!tpu.dma_semaphore, #tpu.memory_space<semaphore_mem>>)
    %dma_wait3A_59 = arith.constant 0 : i32
    %dma_wait3A_60 = tpu.memref_slice %arg4[%add3A_54, %dma_wait3A_59] : memref<24576x256xi32, #tpu.memory_space<hbm>> -> memref<128x256xi32, #tpu.memory_space<hbm>>
    %dma_wait3A_61 = arith.constant 0 : i32
    %dma_wait3A_62 = tpu.memref_slice %arg4[%add3A_54, %dma_wait3A_61] : memref<24576x256xi32, #tpu.memory_space<hbm>> -> memref<128x256xi32, #tpu.memory_space<hbm>>
    tpu.wait_dma2 semaphore(%arg13 : memref<!tpu.dma_semaphore, #tpu.memory_space<semaphore_mem>>) src(%arg7 : memref<128x256xi32, #tpu.memory_space<vmem>>) dst(%dma_wait3A_62 : memref<128x256xi32, #tpu.memory_space<hbm>>)
    %dma_start3A_63 = arith.constant 4 : i32
    %dma_start3A_64 = arith.constant 0 : i32
    %dma_start3A_65 = tpu.memref_slice %arg5[%dma_start3A_63, %dma_start3A_64] : memref<6x128xi32, #tpu.memory_space<vmem>> -> memref<1x128xi32, #tpu.memory_space<vmem>>
    %dma_start3A_66 = tpu.memref_squeeze %dma_start3A_65 : memref<1x128xi32, #tpu.memory_space<vmem>> -> memref<128xi32, #tpu.memory_space<vmem>>
    %dma_start3A_67 = arith.constant 0 : i32
    %dma_start3A_68 = arith.constant 0 : i32
    %dma_start3A_69 = tpu.memref_slice %arg2[%dma_start3A_67, %dma_start3A_68] : memref<4096x256xi32, #tpu.memory_space<hbm>> -> memref<4096x256xi32, #tpu.memory_space<hbm>>
    tpu.enqueue_indirect_dma source(%dma_start3A_69 : memref<4096x256xi32, #tpu.memory_space<hbm>>) target(%arg7 : memref<128x256xi32, #tpu.memory_space<vmem>>) offsets(%dma_start3A_66 : memref<128xi32, #tpu.memory_space<vmem>>) semaphore(%arg10 : memref<!tpu.dma_semaphore, #tpu.memory_space<semaphore_mem>>)
    %dma_wait3A_70 = arith.constant 2 : i32
    %dma_wait3A_71 = arith.constant 0 : i32
    %dma_wait3A_72 = tpu.memref_slice %arg5[%dma_wait3A_70, %dma_wait3A_71] : memref<6x128xi32, #tpu.memory_space<vmem>> -> memref<1x128xi32, #tpu.memory_space<vmem>>
    %dma_wait3A_73 = tpu.memref_squeeze %dma_wait3A_72 : memref<1x128xi32, #tpu.memory_space<vmem>> -> memref<128xi32, #tpu.memory_space<vmem>>
    %dma_wait3A_74 = arith.constant 0 : i32
    %dma_wait3A_75 = arith.constant 0 : i32
    %dma_wait3A_76 = tpu.memref_slice %arg2[%dma_wait3A_74, %dma_wait3A_75] : memref<4096x256xi32, #tpu.memory_space<hbm>> -> memref<4096x256xi32, #tpu.memory_space<hbm>>
    tpu.wait_indirect_dma semaphore(%arg11 : memref<!tpu.dma_semaphore, #tpu.memory_space<semaphore_mem>>) src(%dma_wait3A_76 : memref<4096x256xi32, #tpu.memory_space<hbm>>) dst(%arg8 : memref<128x256xi32, #tpu.memory_space<vmem>>)
    %add3A_77 = arith.constant 256 : i32
    %add3A_78 = arith.addi %mul3A_2, %add3A_77 : i32
    %dma_start3A_79 = arith.constant 0 : i32
    %dma_start3A_80 = tpu.memref_slice %arg4[%add3A_78, %dma_start3A_79] : memref<24576x256xi32, #tpu.memory_space<hbm>> -> memref<128x256xi32, #tpu.memory_space<hbm>>
    %dma_start3A_81 = arith.constant 0 : i32
    %dma_start3A_82 = tpu.memref_slice %arg4[%add3A_78, %dma_start3A_81] : memref<24576x256xi32, #tpu.memory_space<hbm>> -> memref<128x256xi32, #tpu.memory_space<hbm>>
    tpu.enqueue_dma source(%arg8 : memref<128x256xi32, #tpu.memory_space<vmem>>) target(%dma_start3A_82 : memref<128x256xi32, #tpu.memory_space<hbm>>) target_semaphore(%arg14 : memref<!tpu.dma_semaphore, #tpu.memory_space<semaphore_mem>>)
    %dma_wait3A_83 = arith.constant 0 : i32
    %dma_wait3A_84 = tpu.memref_slice %arg4[%add3A_78, %dma_wait3A_83] : memref<24576x256xi32, #tpu.memory_space<hbm>> -> memref<128x256xi32, #tpu.memory_space<hbm>>
    %dma_wait3A_85 = arith.constant 0 : i32
    %dma_wait3A_86 = tpu.memref_slice %arg4[%add3A_78, %dma_wait3A_85] : memref<24576x256xi32, #tpu.memory_space<hbm>> -> memref<128x256xi32, #tpu.memory_space<hbm>>
    tpu.wait_dma2 semaphore(%arg14 : memref<!tpu.dma_semaphore, #tpu.memory_space<semaphore_mem>>) src(%arg8 : memref<128x256xi32, #tpu.memory_space<vmem>>) dst(%dma_wait3A_86 : memref<128x256xi32, #tpu.memory_space<hbm>>)
    %dma_start3A_87 = arith.constant 5 : i32
    %dma_start3A_88 = arith.constant 0 : i32
    %dma_start3A_89 = tpu.memref_slice %arg5[%dma_start3A_87, %dma_start3A_88] : memref<6x128xi32, #tpu.memory_space<vmem>> -> memref<1x128xi32, #tpu.memory_space<vmem>>
    %dma_start3A_90 = tpu.memref_squeeze %dma_start3A_89 : memref<1x128xi32, #tpu.memory_space<vmem>> -> memref<128xi32, #tpu.memory_space<vmem>>
    %dma_start3A_91 = arith.constant 0 : i32
    %dma_start3A_92 = arith.constant 0 : i32
    %dma_start3A_93 = tpu.memref_slice %arg2[%dma_start3A_91, %dma_start3A_92] : memref<4096x256xi32, #tpu.memory_space<hbm>> -> memref<4096x256xi32, #tpu.memory_space<hbm>>
    tpu.enqueue_indirect_dma source(%dma_start3A_93 : memref<4096x256xi32, #tpu.memory_space<hbm>>) target(%arg8 : memref<128x256xi32, #tpu.memory_space<vmem>>) offsets(%dma_start3A_90 : memref<128xi32, #tpu.memory_space<vmem>>) semaphore(%arg11 : memref<!tpu.dma_semaphore, #tpu.memory_space<semaphore_mem>>)
    %dma_wait3A_94 = arith.constant 3 : i32
    %dma_wait3A_95 = arith.constant 0 : i32
    %dma_wait3A_96 = tpu.memref_slice %arg5[%dma_wait3A_94, %dma_wait3A_95] : memref<6x128xi32, #tpu.memory_space<vmem>> -> memref<1x128xi32, #tpu.memory_space<vmem>>
    %dma_wait3A_97 = tpu.memref_squeeze %dma_wait3A_96 : memref<1x128xi32, #tpu.memory_space<vmem>> -> memref<128xi32, #tpu.memory_space<vmem>>
    %dma_wait3A_98 = arith.constant 0 : i32
    %dma_wait3A_99 = arith.constant 0 : i32
    %dma_wait3A_100 = tpu.memref_slice %arg2[%dma_wait3A_98, %dma_wait3A_99] : memref<4096x256xi32, #tpu.memory_space<hbm>> -> memref<4096x256xi32, #tpu.memory_space<hbm>>
    tpu.wait_indirect_dma semaphore(%arg9 : memref<!tpu.dma_semaphore, #tpu.memory_space<semaphore_mem>>) src(%dma_wait3A_100 : memref<4096x256xi32, #tpu.memory_space<hbm>>) dst(%arg6 : memref<128x256xi32, #tpu.memory_space<vmem>>)
    %add3A_101 = arith.constant 384 : i32
    %add3A_102 = arith.addi %mul3A_2, %add3A_101 : i32
    %dma_start3A_103 = arith.constant 0 : i32
    %dma_start3A_104 = tpu.memref_slice %arg4[%add3A_102, %dma_start3A_103] : memref<24576x256xi32, #tpu.memory_space<hbm>> -> memref<128x256xi32, #tpu.memory_space<hbm>>
    %dma_start3A_105 = arith.constant 0 : i32
    %dma_start3A_106 = tpu.memref_slice %arg4[%add3A_102, %dma_start3A_105] : memref<24576x256xi32, #tpu.memory_space<hbm>> -> memref<128x256xi32, #tpu.memory_space<hbm>>
    tpu.enqueue_dma source(%arg6 : memref<128x256xi32, #tpu.memory_space<vmem>>) target(%dma_start3A_106 : memref<128x256xi32, #tpu.memory_space<hbm>>) target_semaphore(%arg12 : memref<!tpu.dma_semaphore, #tpu.memory_space<semaphore_mem>>)
    %dma_wait3A_107 = arith.constant 4 : i32
    %dma_wait3A_108 = arith.constant 0 : i32
    %dma_wait3A_109 = tpu.memref_slice %arg5[%dma_wait3A_107, %dma_wait3A_108] : memref<6x128xi32, #tpu.memory_space<vmem>> -> memref<1x128xi32, #tpu.memory_space<vmem>>
    %dma_wait3A_110 = tpu.memref_squeeze %dma_wait3A_109 : memref<1x128xi32, #tpu.memory_space<vmem>> -> memref<128xi32, #tpu.memory_space<vmem>>
    %dma_wait3A_111 = arith.constant 0 : i32
    %dma_wait3A_112 = arith.constant 0 : i32
    %dma_wait3A_113 = tpu.memref_slice %arg2[%dma_wait3A_111, %dma_wait3A_112] : memref<4096x256xi32, #tpu.memory_space<hbm>> -> memref<4096x256xi32, #tpu.memory_space<hbm>>
    tpu.wait_indirect_dma semaphore(%arg10 : memref<!tpu.dma_semaphore, #tpu.memory_space<semaphore_mem>>) src(%dma_wait3A_113 : memref<4096x256xi32, #tpu.memory_space<hbm>>) dst(%arg7 : memref<128x256xi32, #tpu.memory_space<vmem>>)
    %add3A_114 = arith.constant 512 : i32
    %add3A_115 = arith.addi %mul3A_2, %add3A_114 : i32
    %dma_start3A_116 = arith.constant 0 : i32
    %dma_start3A_117 = tpu.memref_slice %arg4[%add3A_115, %dma_start3A_116] : memref<24576x256xi32, #tpu.memory_space<hbm>> -> memref<128x256xi32, #tpu.memory_space<hbm>>
    %dma_start3A_118 = arith.constant 0 : i32
    %dma_start3A_119 = tpu.memref_slice %arg4[%add3A_115, %dma_start3A_118] : memref<24576x256xi32, #tpu.memory_space<hbm>> -> memref<128x256xi32, #tpu.memory_space<hbm>>
    tpu.enqueue_dma source(%arg7 : memref<128x256xi32, #tpu.memory_space<vmem>>) target(%dma_start3A_119 : memref<128x256xi32, #tpu.memory_space<hbm>>) target_semaphore(%arg13 : memref<!tpu.dma_semaphore, #tpu.memory_space<semaphore_mem>>)
    %dma_wait3A_120 = arith.constant 5 : i32
    %dma_wait3A_121 = arith.constant 0 : i32
    %dma_wait3A_122 = tpu.memref_slice %arg5[%dma_wait3A_120, %dma_wait3A_121] : memref<6x128xi32, #tpu.memory_space<vmem>> -> memref<1x128xi32, #tpu.memory_space<vmem>>
    %dma_wait3A_123 = tpu.memref_squeeze %dma_wait3A_122 : memref<1x128xi32, #tpu.memory_space<vmem>> -> memref<128xi32, #tpu.memory_space<vmem>>
    %dma_wait3A_124 = arith.constant 0 : i32
    %dma_wait3A_125 = arith.constant 0 : i32
    %dma_wait3A_126 = tpu.memref_slice %arg2[%dma_wait3A_124, %dma_wait3A_125] : memref<4096x256xi32, #tpu.memory_space<hbm>> -> memref<4096x256xi32, #tpu.memory_space<hbm>>
    tpu.wait_indirect_dma semaphore(%arg11 : memref<!tpu.dma_semaphore, #tpu.memory_space<semaphore_mem>>) src(%dma_wait3A_126 : memref<4096x256xi32, #tpu.memory_space<hbm>>) dst(%arg8 : memref<128x256xi32, #tpu.memory_space<vmem>>)
    %add3A_127 = arith.constant 640 : i32
    %add3A_128 = arith.addi %mul3A_2, %add3A_127 : i32
    %dma_start3A_129 = arith.constant 0 : i32
    %dma_start3A_130 = tpu.memref_slice %arg4[%add3A_128, %dma_start3A_129] : memref<24576x256xi32, #tpu.memory_space<hbm>> -> memref<128x256xi32, #tpu.memory_space<hbm>>
    %dma_start3A_131 = arith.constant 0 : i32
    %dma_start3A_132 = tpu.memref_slice %arg4[%add3A_128, %dma_start3A_131] : memref<24576x256xi32, #tpu.memory_space<hbm>> -> memref<128x256xi32, #tpu.memory_space<hbm>>
    tpu.enqueue_dma source(%arg8 : memref<128x256xi32, #tpu.memory_space<vmem>>) target(%dma_start3A_132 : memref<128x256xi32, #tpu.memory_space<hbm>>) target_semaphore(%arg14 : memref<!tpu.dma_semaphore, #tpu.memory_space<semaphore_mem>>)
    %dma_wait3A_133 = arith.constant 0 : i32
    %dma_wait3A_134 = tpu.memref_slice %arg4[%add3A_102, %dma_wait3A_133] : memref<24576x256xi32, #tpu.memory_space<hbm>> -> memref<128x256xi32, #tpu.memory_space<hbm>>
    %dma_wait3A_135 = arith.constant 0 : i32
    %dma_wait3A_136 = tpu.memref_slice %arg4[%add3A_102, %dma_wait3A_135] : memref<24576x256xi32, #tpu.memory_space<hbm>> -> memref<128x256xi32, #tpu.memory_space<hbm>>
    tpu.wait_dma2 semaphore(%arg12 : memref<!tpu.dma_semaphore, #tpu.memory_space<semaphore_mem>>) src(%arg6 : memref<128x256xi32, #tpu.memory_space<vmem>>) dst(%dma_wait3A_136 : memref<128x256xi32, #tpu.memory_space<hbm>>)
    %dma_wait3A_137 = arith.constant 0 : i32
    %dma_wait3A_138 = tpu.memref_slice %arg4[%add3A_115, %dma_wait3A_137] : memref<24576x256xi32, #tpu.memory_space<hbm>> -> memref<128x256xi32, #tpu.memory_space<hbm>>
    %dma_wait3A_139 = arith.constant 0 : i32
    %dma_wait3A_140 = tpu.memref_slice %arg4[%add3A_115, %dma_wait3A_139] : memref<24576x256xi32, #tpu.memory_space<hbm>> -> memref<128x256xi32, #tpu.memory_space<hbm>>
    tpu.wait_dma2 semaphore(%arg13 : memref<!tpu.dma_semaphore, #tpu.memory_space<semaphore_mem>>) src(%arg7 : memref<128x256xi32, #tpu.memory_space<vmem>>) dst(%dma_wait3A_140 : memref<128x256xi32, #tpu.memory_space<hbm>>)
    %dma_wait3A_141 = arith.constant 0 : i32
    %dma_wait3A_142 = tpu.memref_slice %arg4[%add3A_128, %dma_wait3A_141] : memref<24576x256xi32, #tpu.memory_space<hbm>> -> memref<128x256xi32, #tpu.memory_space<hbm>>
    %dma_wait3A_143 = arith.constant 0 : i32
    %dma_wait3A_144 = tpu.memref_slice %arg4[%add3A_128, %dma_wait3A_143] : memref<24576x256xi32, #tpu.memory_space<hbm>> -> memref<128x256xi32, #tpu.memory_space<hbm>>
    tpu.wait_dma2 semaphore(%arg14 : memref<!tpu.dma_semaphore, #tpu.memory_space<semaphore_mem>>) src(%arg8 : memref<128x256xi32, #tpu.memory_space<vmem>>) dst(%dma_wait3A_144 : memref<128x256xi32, #tpu.memory_space<hbm>>)
    return
  }
}

module attributes {stable_mosaic.version = 14 : i64} {
  func.func @_front_body(%arg0: i32, %arg1: i32, %arg2: memref<256x384xf32, #tpu.memory_space<vmem>>, %arg3: memref<384x512xf32, #tpu.memory_space<vmem>>, %arg4: memref<1x512xf32, #tpu.memory_space<vmem>>, %arg5: memref<512x512xf32, #tpu.memory_space<vmem>>, %arg6: memref<1x512xf32, #tpu.memory_space<vmem>>, %arg7: memref<512x512xf32, #tpu.memory_space<vmem>>, %arg8: memref<1x512xf32, #tpu.memory_space<vmem>>, %arg9: memref<256x512xf32, #tpu.memory_space<vmem>>, %arg10: memref<256x256xi32, #tpu.memory_space<vmem>>, %arg11: memref<8x256xi32, #tpu.memory_space<vmem>>, %arg12: memref<4096x512xf32, #tpu.memory_space<vmem>>, %arg13: memref<1x512xf32, #tpu.memory_space<vmem>>, %arg14: memref<4096x512xbf16, #tpu.memory_space<vmem>>, %arg15: memref<4096x512xbf16, #tpu.memory_space<vmem>>) attributes {dimension_semantics = [#tpu.dimension_semantics<arbitrary>, #tpu.dimension_semantics<arbitrary>], iteration_bounds = array<i64: 3, 16>, scalar_prefetch = 0 : i64, scratch_operands = 4 : i64, tpu.core_type = #tpu.core_type<tc>, window_params = [{transform_indices = @transform_0, window_bounds = array<i64: 256, 384>}, {pipeline_mode = #tpu.pipeline_mode<synchronous>, transform_indices = @transform_1, window_bounds = array<i64: 384, 512>}, {pipeline_mode = #tpu.pipeline_mode<synchronous>, transform_indices = @transform_2, window_bounds = array<i64: 1, 512>}, {pipeline_mode = #tpu.pipeline_mode<synchronous>, transform_indices = @transform_3, window_bounds = array<i64: 512, 512>}, {pipeline_mode = #tpu.pipeline_mode<synchronous>, transform_indices = @transform_4, window_bounds = array<i64: 1, 512>}, {pipeline_mode = #tpu.pipeline_mode<synchronous>, transform_indices = @transform_5, window_bounds = array<i64: 512, 512>}, {pipeline_mode = #tpu.pipeline_mode<synchronous>, transform_indices = @transform_6, window_bounds = array<i64: 1, 512>}, {transform_indices = @transform_7, window_bounds = array<i64: 256, 512>}, {transform_indices = @transform_8, window_bounds = array<i64: 256, 256>}, {transform_indices = @transform_9, window_bounds = array<i64: 8, 256>}]} {
    %mul3A = arith.constant 256 : i32
    %mul3A_0 = arith.muli %arg1, %mul3A : i32
    %eq3A = arith.constant 0 : i32
    %eq3A_1 = arith.cmpi eq, %arg0, %eq3A : i32
    %convert_element_type3A = arith.extui %eq3A_1 : i1 to i32
    %cond3A = arith.constant 0 : i32
    %cond3A_2 = arith.cmpi ne, %convert_element_type3A, %cond3A : i32
    scf.if %cond3A_2 {
      %get3A = arith.constant 0 : index
      %get3A_13 = arith.constant 0 : index
      %get3A_14 = vector.load %arg2[%get3A, %get3A_13] : memref<256x384xf32, #tpu.memory_space<vmem>>, vector<256x384xf32>
      %get3A_15 = arith.constant 0 : index
      %get3A_16 = arith.constant 0 : index
      %get3A_17 = vector.load %arg3[%get3A_15, %get3A_16] : memref<384x512xf32, #tpu.memory_space<vmem>>, vector<384x512xf32>
      %dot_general3A = arith.constant dense<0.000000e+00> : vector<256x512xf32>
      %dot_general3A_18 = tpu.matmul %get3A_14, %get3A_17, %dot_general3A {dimension_numbers = #tpu.dot_dimension_numbers<[1], [0], [0], [1], [0, 0, 1, 1], [], []>, transpose_lhs_hint = false} : vector<256x384xf32>, vector<384x512xf32>, vector<256x512xf32> -> vector<256x512xf32>
      %get3A_19 = arith.constant 0 : index
      %get3A_20 = arith.constant 0 : index
      %get3A_21 = vector.load %arg4[%get3A_19, %get3A_20] : memref<1x512xf32, #tpu.memory_space<vmem>>, vector<1x512xf32>
      %add3A = vector.broadcast %get3A_21 : vector<1x512xf32> to vector<256x512xf32>
      %add3A_22 = arith.addf %dot_general3A_18, %add3A : vector<256x512xf32>
      %jit3A = arith.constant 0.00999999977 : f32
      %ge3A = arith.constant 0.000000e+00 : f32
      %ge3A_23 = vector.broadcast %ge3A : f32 to vector<256x512xf32>
      %ge3A_24 = arith.cmpf oge, %add3A_22, %ge3A_23 : vector<256x512xf32>
      %mul3A_25 = vector.broadcast %jit3A : f32 to vector<256x512xf32>
      %mul3A_26 = arith.mulf %mul3A_25, %add3A_22 : vector<256x512xf32>
      %select_n3A = arith.select %ge3A_24, %add3A_22, %mul3A_26 : vector<256x512xi1>, vector<256x512xf32>
      %swap3A = arith.index_cast %mul3A_0 : i32 to index
      %swap3A_27 = arith.constant 0 : index
      %swap3A_28 = vector.load %arg12[%swap3A, %swap3A_27] : memref<4096x512xf32, #tpu.memory_space<vmem>>, vector<256x512xf32>
      tpu.vector_store %arg12[%swap3A, %swap3A_27], %select_n3A {strides = array<i32>} : memref<4096x512xf32, #tpu.memory_space<vmem>>, vector<256x512xf32>,
      %eq3A_29 = arith.constant 0 : i32
      %eq3A_30 = arith.cmpi eq, %arg1, %eq3A_29 : i32
      %convert_element_type3A_31 = arith.extui %eq3A_30 : i1 to i32
      %cond3A_32 = arith.constant 0 : i32
      %cond3A_33 = arith.cmpi ne, %convert_element_type3A_31, %cond3A_32 : i32
      scf.if %cond3A_33 {
        %broadcast_in_dim3A_42 = arith.constant 0.000000e+00 : f32
        %broadcast_in_dim3A_43 = vector.broadcast %broadcast_in_dim3A_42 : f32 to vector<1x512xf32>
        %swap3A_44 = arith.constant 0 : index
        %swap3A_45 = arith.constant 0 : index
        %swap3A_46 = vector.load %arg13[%swap3A_44, %swap3A_45] : memref<1x512xf32, #tpu.memory_space<vmem>>, vector<1x512xf32>
        tpu.vector_store %arg13[%swap3A_44, %swap3A_45], %broadcast_in_dim3A_43 {strides = array<i32>} : memref<1x512xf32, #tpu.memory_space<vmem>>, vector<1x512xf32>,
      } else {
      }
      %get3A_34 = arith.constant 0 : index
      %get3A_35 = arith.constant 0 : index
      %get3A_36 = vector.load %arg13[%get3A_34, %get3A_35] : memref<1x512xf32, #tpu.memory_space<vmem>>, vector<1x512xf32>
      %reduce_sum3A = arith.constant dense<0.000000e+00> : vector<512xf32>
      %reduce_sum3A_37 = vector.multi_reduction <add>, %select_n3A, %reduce_sum3A [0] : vector<256x512xf32> to vector<512xf32>
      %broadcast_in_dim3A = vector.shape_cast %reduce_sum3A_37 : vector<512xf32> to vector<1x512xf32>
      %add3A_38 = arith.addf %get3A_36, %broadcast_in_dim3A : vector<1x512xf32>
      %swap3A_39 = arith.constant 0 : index
      %swap3A_40 = arith.constant 0 : index
      %swap3A_41 = vector.load %arg13[%swap3A_39, %swap3A_40] : memref<1x512xf32, #tpu.memory_space<vmem>>, vector<1x512xf32>
      tpu.vector_store %arg13[%swap3A_39, %swap3A_40], %add3A_38 {strides = array<i32>} : memref<1x512xf32, #tpu.memory_space<vmem>>, vector<1x512xf32>,
    } else {
    }
    %eq3A_3 = arith.constant 1 : i32
    %eq3A_4 = arith.cmpi eq, %arg0, %eq3A_3 : i32
    %convert_element_type3A_5 = arith.extui %eq3A_4 : i1 to i32
    %cond3A_6 = arith.constant 0 : i32
    %cond3A_7 = arith.cmpi ne, %convert_element_type3A_5, %cond3A_6 : i32
    scf.if %cond3A_7 {
      %get3A = arith.index_cast %mul3A_0 : i32 to index
      %get3A_13 = arith.constant 0 : index
      %get3A_14 = vector.load %arg12[%get3A, %get3A_13] : memref<4096x512xf32, #tpu.memory_space<vmem>>, vector<256x512xf32>
      %get3A_15 = arith.constant 0 : index
      %get3A_16 = arith.constant 0 : index
      %get3A_17 = vector.load %arg13[%get3A_15, %get3A_16] : memref<1x512xf32, #tpu.memory_space<vmem>>, vector<1x512xf32>
      %mul3A_18 = arith.constant 2.44140625E-4 : f32
      %mul3A_19 = vector.broadcast %mul3A_18 : f32 to vector<1x512xf32>
      %mul3A_20 = arith.mulf %get3A_17, %mul3A_19 : vector<1x512xf32>
      %add3A = vector.broadcast %mul3A_20 : vector<1x512xf32> to vector<256x512xf32>
      %add3A_21 = arith.addf %get3A_14, %add3A : vector<256x512xf32>
      %mul3A_22 = arith.constant 5.000000e-01 : f32
      %mul3A_23 = vector.broadcast %mul3A_22 : f32 to vector<256x512xf32>
      %mul3A_24 = arith.mulf %add3A_21, %mul3A_23 : vector<256x512xf32>
      %get3A_25 = arith.constant 0 : index
      %get3A_26 = arith.constant 0 : index
      %get3A_27 = vector.load %arg5[%get3A_25, %get3A_26] : memref<512x512xf32, #tpu.memory_space<vmem>>, vector<512x512xf32>
      %dot_general3A = arith.constant dense<0.000000e+00> : vector<256x512xf32>
      %dot_general3A_28 = tpu.matmul %mul3A_24, %get3A_27, %dot_general3A {dimension_numbers = #tpu.dot_dimension_numbers<[1], [0], [0], [1], [0, 0, 1, 1], [], []>, transpose_lhs_hint = false} : vector<256x512xf32>, vector<512x512xf32>, vector<256x512xf32> -> vector<256x512xf32>
      %get3A_29 = arith.constant 0 : index
      %get3A_30 = arith.constant 0 : index
      %get3A_31 = vector.load %arg6[%get3A_29, %get3A_30] : memref<1x512xf32, #tpu.memory_space<vmem>>, vector<1x512xf32>
      %add3A_32 = vector.broadcast %get3A_31 : vector<1x512xf32> to vector<256x512xf32>
      %add3A_33 = arith.addf %dot_general3A_28, %add3A_32 : vector<256x512xf32>
      %get3A_34 = arith.constant 0 : index
      %get3A_35 = arith.constant 0 : index
      %get3A_36 = vector.load %arg7[%get3A_34, %get3A_35] : memref<512x512xf32, #tpu.memory_space<vmem>>, vector<512x512xf32>
      %dot_general3A_37 = arith.constant dense<0.000000e+00> : vector<256x512xf32>
      %dot_general3A_38 = tpu.matmul %mul3A_24, %get3A_36, %dot_general3A_37 {dimension_numbers = #tpu.dot_dimension_numbers<[1], [0], [0], [1], [0, 0, 1, 1], [], []>, transpose_lhs_hint = false} : vector<256x512xf32>, vector<512x512xf32>, vector<256x512xf32> -> vector<256x512xf32>
      %get3A_39 = arith.constant 0 : index
      %get3A_40 = arith.constant 0 : index
      %get3A_41 = vector.load %arg8[%get3A_39, %get3A_40] : memref<1x512xf32, #tpu.memory_space<vmem>>, vector<1x512xf32>
      %add3A_42 = vector.broadcast %get3A_41 : vector<1x512xf32> to vector<256x512xf32>
      %add3A_43 = arith.addf %dot_general3A_38, %add3A_42 : vector<256x512xf32>
      %swap3A = arith.constant 0 : index
      %swap3A_44 = arith.constant 0 : index
      %swap3A_45 = vector.load %arg9[%swap3A, %swap3A_44] : memref<256x512xf32, #tpu.memory_space<vmem>>, vector<256x512xf32>
      tpu.vector_store %arg9[%swap3A, %swap3A_44], %add3A_33 {strides = array<i32>} : memref<256x512xf32, #tpu.memory_space<vmem>>, vector<256x512xf32>,
      %convert_element_type3A_46 = arith.truncf %add3A_33 : vector<256x512xf32> to vector<256x512xbf16>
      %swap3A_47 = arith.index_cast %mul3A_0 : i32 to index
      %swap3A_48 = arith.constant 0 : index
      %swap3A_49 = vector.load %arg14[%swap3A_47, %swap3A_48] : memref<4096x512xbf16, #tpu.memory_space<vmem>>, vector<256x512xbf16>
      tpu.vector_store %arg14[%swap3A_47, %swap3A_48], %convert_element_type3A_46 {strides = array<i32>} : memref<4096x512xbf16, #tpu.memory_space<vmem>>, vector<256x512xbf16>,
      %convert_element_type3A_50 = arith.truncf %add3A_43 : vector<256x512xf32> to vector<256x512xbf16>
      %swap3A_51 = arith.index_cast %mul3A_0 : i32 to index
      %swap3A_52 = arith.constant 0 : index
      %swap3A_53 = vector.load %arg15[%swap3A_51, %swap3A_52] : memref<4096x512xbf16, #tpu.memory_space<vmem>>, vector<256x512xbf16>
      tpu.vector_store %arg15[%swap3A_51, %swap3A_52], %convert_element_type3A_50 {strides = array<i32>} : memref<4096x512xbf16, #tpu.memory_space<vmem>>, vector<256x512xbf16>,
      %slice3A = vector.extract_strided_slice %add3A_43 {offsets = [0, 0], sizes = [256, 256], strides = [1, 1]} : vector<256x512xf32> to vector<256x256xf32>
      %bitcast_convert_type3A = tpu.bitcast %slice3A : vector<256x256xf32> -> vector<256x256xi32>
      %add3A_54 = arith.constant 32768 : i32
      %add3A_55 = vector.broadcast %add3A_54 : i32 to vector<256x256xi32>
      %add3A_56 = arith.addi %bitcast_convert_type3A, %add3A_55 : vector<256x256xi32>
      %slice3A_57 = vector.extract_strided_slice %add3A_43 {offsets = [0, 256], sizes = [256, 256], strides = [1, 1]} : vector<256x512xf32> to vector<256x256xf32>
      %bitcast_convert_type3A_58 = tpu.bitcast %slice3A_57 : vector<256x256xf32> -> vector<256x256xi32>
      %add3A_59 = arith.constant 32768 : i32
      %add3A_60 = vector.broadcast %add3A_59 : i32 to vector<256x256xi32>
      %add3A_61 = arith.addi %bitcast_convert_type3A_58, %add3A_60 : vector<256x256xi32>
      %shift_right_arithmetic3A = arith.constant 16 : i32
      %shift_right_arithmetic3A_62 = vector.broadcast %shift_right_arithmetic3A : i32 to vector<256x256xi32>
      %shift_right_arithmetic3A_63 = arith.shrsi %add3A_56, %shift_right_arithmetic3A_62 : vector<256x256xi32>
      %and3A = arith.constant 65535 : i32
      %and3A_64 = vector.broadcast %and3A : i32 to vector<256x256xi32>
      %and3A_65 = arith.andi %shift_right_arithmetic3A_63, %and3A_64 : vector<256x256xi32>
      %and3A_66 = arith.constant -65536 : i32
      %and3A_67 = vector.broadcast %and3A_66 : i32 to vector<256x256xi32>
      %and3A_68 = arith.andi %add3A_61, %and3A_67 : vector<256x256xi32>
      %or3A = arith.ori %and3A_65, %and3A_68 : vector<256x256xi32>
      %swap3A_69 = arith.constant 0 : index
      %swap3A_70 = arith.constant 0 : index
      %swap3A_71 = vector.load %arg10[%swap3A_69, %swap3A_70] : memref<256x256xi32, #tpu.memory_space<vmem>>, vector<256x256xi32>
      tpu.vector_store %arg10[%swap3A_69, %swap3A_70], %or3A {strides = array<i32>} : memref<256x256xi32, #tpu.memory_space<vmem>>, vector<256x256xi32>,
    } else {
    }
    %eq3A_8 = arith.constant 2 : i32
    %eq3A_9 = arith.cmpi eq, %arg0, %eq3A_8 : i32
    %convert_element_type3A_10 = arith.extui %eq3A_9 : i1 to i32
    %cond3A_11 = arith.constant 0 : i32
    %cond3A_12 = arith.cmpi ne, %convert_element_type3A_10, %cond3A_11 : i32
    scf.if %cond3A_12 {
      %get3A = arith.constant 0 : index
      %get3A_13 = arith.constant 0 : index
      %get3A_14 = vector.load %arg15[%get3A, %get3A_13] : memref<4096x512xbf16, #tpu.memory_space<vmem>>, vector<4096x512xbf16>
      %get3A_15 = arith.index_cast %mul3A_0 : i32 to index
      %get3A_16 = arith.constant 0 : index
      %get3A_17 = vector.load %arg14[%get3A_15, %get3A_16] : memref<4096x512xbf16, #tpu.memory_space<vmem>>, vector<256x512xbf16>
      %dot_general3A = arith.constant dense<0.000000e+00> : vector<4096x256xf32>
      %dot_general3A_18 = tpu.matmul %get3A_14, %get3A_17, %dot_general3A {dimension_numbers = #tpu.dot_dimension_numbers<[1], [1], [0], [0], [0, 0, 1, 0], [], []>, transpose_lhs_hint = false} : vector<4096x512xbf16>, vector<256x512xbf16>, vector<4096x256xf32> -> vector<4096x256xf32>
      %bitcast_convert_type3A = tpu.bitcast %dot_general3A_18 : vector<4096x256xf32> -> vector<4096x256xi32>
      %shift_right_arithmetic3A = arith.constant 31 : i32
      %shift_right_arithmetic3A_19 = vector.broadcast %shift_right_arithmetic3A : i32 to vector<4096x256xi32>
      %shift_right_arithmetic3A_20 = arith.shrsi %bitcast_convert_type3A, %shift_right_arithmetic3A_19 : vector<4096x256xi32>
      %and3A = arith.constant 2147483647 : i32
      %and3A_21 = vector.broadcast %and3A : i32 to vector<4096x256xi32>
      %and3A_22 = arith.andi %shift_right_arithmetic3A_20, %and3A_21 : vector<4096x256xi32>
      %xor3A = arith.xori %bitcast_convert_type3A, %and3A_22 : vector<4096x256xi32>
      %iota3A = tpu.iota {dimensions = array<i32: 0>} : vector<4096x256xi32>
      %xor3A_23 = arith.constant 4095 : i32
      %xor3A_24 = vector.broadcast %xor3A_23 : i32 to vector<4096x256xi32>
      %xor3A_25 = arith.xori %iota3A, %xor3A_24 : vector<4096x256xi32>
      %and3A_26 = arith.constant -4096 : i32
      %and3A_27 = vector.broadcast %and3A_26 : i32 to vector<4096x256xi32>
      %and3A_28 = arith.andi %xor3A, %and3A_27 : vector<4096x256xi32>
      %or3A = arith.ori %and3A_28, %xor3A_25 : vector<4096x256xi32>
      %iota3A_29 = tpu.iota {dimensions = array<i32: 0>} : vector<8x256xi32>
      %broadcast_in_dim3A = arith.constant 0 : i32
      %broadcast_in_dim3A_30 = vector.broadcast %broadcast_in_dim3A : i32 to vector<8x256xi32>
      %reduce_max3A = arith.constant dense<-2147483648> : vector<256xi32>
      %reduce_max3A_31 = vector.multi_reduction <maxsi>, %or3A, %reduce_max3A [0] : vector<4096x256xi32> to vector<256xi32>
      %broadcast_in_dim3A_32 = vector.shape_cast %reduce_max3A_31 : vector<256xi32> to vector<1x256xi32>
      %and3A_33 = arith.constant 4095 : i32
      %and3A_34 = vector.broadcast %and3A_33 : i32 to vector<1x256xi32>
      %and3A_35 = arith.andi %broadcast_in_dim3A_32, %and3A_34 : vector<1x256xi32>
      %xor3A_36 = arith.constant 4095 : i32
      %xor3A_37 = vector.broadcast %xor3A_36 : i32 to vector<1x256xi32>
      %xor3A_38 = arith.xori %and3A_35, %xor3A_37 : vector<1x256xi32>
      %eq3A_39 = arith.constant 0 : i32
      %eq3A_40 = vector.broadcast %eq3A_39 : i32 to vector<8x256xi32>
      %eq3A_41 = arith.cmpi eq, %iota3A_29, %eq3A_40 : vector<8x256xi32>
      %broadcast_in_dim3A_42 = vector.shape_cast %xor3A_38 : vector<1x256xi32> to vector<1x256xi32>
      %broadcast_in_dim3A_43 = vector.broadcast %broadcast_in_dim3A_42 : vector<1x256xi32> to vector<8x256xi32>
      %select_n3A = arith.select %eq3A_41, %broadcast_in_dim3A_43, %broadcast_in_dim3A_30 : vector<8x256xi1>, vector<8x256xi32>
      %lt3A = vector.broadcast %broadcast_in_dim3A_32 : vector<1x256xi32> to vector<4096x256xi32>
      %lt3A_44 = arith.cmpi slt, %or3A, %lt3A : vector<4096x256xi32>
      %jit3A = arith.constant -2147483648 : i32
      %broadcast_in_dim3A_45 = vector.broadcast %jit3A : i32 to vector<4096x256xi32>
      %select_n3A_46 = arith.select %lt3A_44, %or3A, %broadcast_in_dim3A_45 : vector<4096x256xi1>, vector<4096x256xi32>
      %reduce_max3A_47 = arith.constant dense<-2147483648> : vector<256xi32>
      %reduce_max3A_48 = vector.multi_reduction <maxsi>, %select_n3A_46, %reduce_max3A_47 [0] : vector<4096x256xi32> to vector<256xi32>
      %broadcast_in_dim3A_49 = vector.shape_cast %reduce_max3A_48 : vector<256xi32> to vector<1x256xi32>
      %and3A_50 = arith.constant 4095 : i32
      %and3A_51 = vector.broadcast %and3A_50 : i32 to vector<1x256xi32>
      %and3A_52 = arith.andi %broadcast_in_dim3A_49, %and3A_51 : vector<1x256xi32>
      %xor3A_53 = arith.constant 4095 : i32
      %xor3A_54 = vector.broadcast %xor3A_53 : i32 to vector<1x256xi32>
      %xor3A_55 = arith.xori %and3A_52, %xor3A_54 : vector<1x256xi32>
      %eq3A_56 = arith.constant 1 : i32
      %eq3A_57 = vector.broadcast %eq3A_56 : i32 to vector<8x256xi32>
      %eq3A_58 = arith.cmpi eq, %iota3A_29, %eq3A_57 : vector<8x256xi32>
      %broadcast_in_dim3A_59 = vector.shape_cast %xor3A_55 : vector<1x256xi32> to vector<1x256xi32>
      %broadcast_in_dim3A_60 = vector.broadcast %broadcast_in_dim3A_59 : vector<1x256xi32> to vector<8x256xi32>
      %select_n3A_61 = arith.select %eq3A_58, %broadcast_in_dim3A_60, %select_n3A : vector<8x256xi1>, vector<8x256xi32>
      %lt3A_62 = vector.broadcast %broadcast_in_dim3A_49 : vector<1x256xi32> to vector<4096x256xi32>
      %lt3A_63 = arith.cmpi slt, %or3A, %lt3A_62 : vector<4096x256xi32>
      %jit3A_64 = arith.constant -2147483648 : i32
      %broadcast_in_dim3A_65 = vector.broadcast %jit3A_64 : i32 to vector<4096x256xi32>
      %select_n3A_66 = arith.select %lt3A_63, %or3A, %broadcast_in_dim3A_65 : vector<4096x256xi1>, vector<4096x256xi32>
      %reduce_max3A_67 = arith.constant dense<-2147483648> : vector<256xi32>
      %reduce_max3A_68 = vector.multi_reduction <maxsi>, %select_n3A_66, %reduce_max3A_67 [0] : vector<4096x256xi32> to vector<256xi32>
      %broadcast_in_dim3A_69 = vector.shape_cast %reduce_max3A_68 : vector<256xi32> to vector<1x256xi32>
      %and3A_70 = arith.constant 4095 : i32
      %and3A_71 = vector.broadcast %and3A_70 : i32 to vector<1x256xi32>
      %and3A_72 = arith.andi %broadcast_in_dim3A_69, %and3A_71 : vector<1x256xi32>
      %xor3A_73 = arith.constant 4095 : i32
      %xor3A_74 = vector.broadcast %xor3A_73 : i32 to vector<1x256xi32>
      %xor3A_75 = arith.xori %and3A_72, %xor3A_74 : vector<1x256xi32>
      %eq3A_76 = arith.constant 2 : i32
      %eq3A_77 = vector.broadcast %eq3A_76 : i32 to vector<8x256xi32>
      %eq3A_78 = arith.cmpi eq, %iota3A_29, %eq3A_77 : vector<8x256xi32>
      %broadcast_in_dim3A_79 = vector.shape_cast %xor3A_75 : vector<1x256xi32> to vector<1x256xi32>
      %broadcast_in_dim3A_80 = vector.broadcast %broadcast_in_dim3A_79 : vector<1x256xi32> to vector<8x256xi32>
      %select_n3A_81 = arith.select %eq3A_78, %broadcast_in_dim3A_80, %select_n3A_61 : vector<8x256xi1>, vector<8x256xi32>
      %lt3A_82 = vector.broadcast %broadcast_in_dim3A_69 : vector<1x256xi32> to vector<4096x256xi32>
      %lt3A_83 = arith.cmpi slt, %or3A, %lt3A_82 : vector<4096x256xi32>
      %jit3A_84 = arith.constant -2147483648 : i32
      %broadcast_in_dim3A_85 = vector.broadcast %jit3A_84 : i32 to vector<4096x256xi32>
      %select_n3A_86 = arith.select %lt3A_83, %or3A, %broadcast_in_dim3A_85 : vector<4096x256xi1>, vector<4096x256xi32>
      %reduce_max3A_87 = arith.constant dense<-2147483648> : vector<256xi32>
      %reduce_max3A_88 = vector.multi_reduction <maxsi>, %select_n3A_86, %reduce_max3A_87 [0] : vector<4096x256xi32> to vector<256xi32>
      %broadcast_in_dim3A_89 = vector.shape_cast %reduce_max3A_88 : vector<256xi32> to vector<1x256xi32>
      %and3A_90 = arith.constant 4095 : i32
      %and3A_91 = vector.broadcast %and3A_90 : i32 to vector<1x256xi32>
      %and3A_92 = arith.andi %broadcast_in_dim3A_89, %and3A_91 : vector<1x256xi32>
      %xor3A_93 = arith.constant 4095 : i32
      %xor3A_94 = vector.broadcast %xor3A_93 : i32 to vector<1x256xi32>
      %xor3A_95 = arith.xori %and3A_92, %xor3A_94 : vector<1x256xi32>
      %eq3A_96 = arith.constant 3 : i32
      %eq3A_97 = vector.broadcast %eq3A_96 : i32 to vector<8x256xi32>
      %eq3A_98 = arith.cmpi eq, %iota3A_29, %eq3A_97 : vector<8x256xi32>
      %broadcast_in_dim3A_99 = vector.shape_cast %xor3A_95 : vector<1x256xi32> to vector<1x256xi32>
      %broadcast_in_dim3A_100 = vector.broadcast %broadcast_in_dim3A_99 : vector<1x256xi32> to vector<8x256xi32>
      %select_n3A_101 = arith.select %eq3A_98, %broadcast_in_dim3A_100, %select_n3A_81 : vector<8x256xi1>, vector<8x256xi32>
      %lt3A_102 = vector.broadcast %broadcast_in_dim3A_89 : vector<1x256xi32> to vector<4096x256xi32>
      %lt3A_103 = arith.cmpi slt, %or3A, %lt3A_102 : vector<4096x256xi32>
      %jit3A_104 = arith.constant -2147483648 : i32
      %broadcast_in_dim3A_105 = vector.broadcast %jit3A_104 : i32 to vector<4096x256xi32>
      %select_n3A_106 = arith.select %lt3A_103, %or3A, %broadcast_in_dim3A_105 : vector<4096x256xi1>, vector<4096x256xi32>
      %reduce_max3A_107 = arith.constant dense<-2147483648> : vector<256xi32>
      %reduce_max3A_108 = vector.multi_reduction <maxsi>, %select_n3A_106, %reduce_max3A_107 [0] : vector<4096x256xi32> to vector<256xi32>
      %broadcast_in_dim3A_109 = vector.shape_cast %reduce_max3A_108 : vector<256xi32> to vector<1x256xi32>
      %and3A_110 = arith.constant 4095 : i32
      %and3A_111 = vector.broadcast %and3A_110 : i32 to vector<1x256xi32>
      %and3A_112 = arith.andi %broadcast_in_dim3A_109, %and3A_111 : vector<1x256xi32>
      %xor3A_113 = arith.constant 4095 : i32
      %xor3A_114 = vector.broadcast %xor3A_113 : i32 to vector<1x256xi32>
      %xor3A_115 = arith.xori %and3A_112, %xor3A_114 : vector<1x256xi32>
      %eq3A_116 = arith.constant 4 : i32
      %eq3A_117 = vector.broadcast %eq3A_116 : i32 to vector<8x256xi32>
      %eq3A_118 = arith.cmpi eq, %iota3A_29, %eq3A_117 : vector<8x256xi32>
      %broadcast_in_dim3A_119 = vector.shape_cast %xor3A_115 : vector<1x256xi32> to vector<1x256xi32>
      %broadcast_in_dim3A_120 = vector.broadcast %broadcast_in_dim3A_119 : vector<1x256xi32> to vector<8x256xi32>
      %select_n3A_121 = arith.select %eq3A_118, %broadcast_in_dim3A_120, %select_n3A_101 : vector<8x256xi1>, vector<8x256xi32>
      %lt3A_122 = vector.broadcast %broadcast_in_dim3A_109 : vector<1x256xi32> to vector<4096x256xi32>
      %lt3A_123 = arith.cmpi slt, %or3A, %lt3A_122 : vector<4096x256xi32>
      %jit3A_124 = arith.constant -2147483648 : i32
      %broadcast_in_dim3A_125 = vector.broadcast %jit3A_124 : i32 to vector<4096x256xi32>
      %select_n3A_126 = arith.select %lt3A_123, %or3A, %broadcast_in_dim3A_125 : vector<4096x256xi1>, vector<4096x256xi32>
      %reduce_max3A_127 = arith.constant dense<-2147483648> : vector<256xi32>
      %reduce_max3A_128 = vector.multi_reduction <maxsi>, %select_n3A_126, %reduce_max3A_127 [0] : vector<4096x256xi32> to vector<256xi32>
      %broadcast_in_dim3A_129 = vector.shape_cast %reduce_max3A_128 : vector<256xi32> to vector<1x256xi32>
      %and3A_130 = arith.constant 4095 : i32
      %and3A_131 = vector.broadcast %and3A_130 : i32 to vector<1x256xi32>
      %and3A_132 = arith.andi %broadcast_in_dim3A_129, %and3A_131 : vector<1x256xi32>
      %xor3A_133 = arith.constant 4095 : i32
      %xor3A_134 = vector.broadcast %xor3A_133 : i32 to vector<1x256xi32>
      %xor3A_135 = arith.xori %and3A_132, %xor3A_134 : vector<1x256xi32>
      %eq3A_136 = arith.constant 5 : i32
      %eq3A_137 = vector.broadcast %eq3A_136 : i32 to vector<8x256xi32>
      %eq3A_138 = arith.cmpi eq, %iota3A_29, %eq3A_137 : vector<8x256xi32>
      %broadcast_in_dim3A_139 = vector.shape_cast %xor3A_135 : vector<1x256xi32> to vector<1x256xi32>
      %broadcast_in_dim3A_140 = vector.broadcast %broadcast_in_dim3A_139 : vector<1x256xi32> to vector<8x256xi32>
      %select_n3A_141 = arith.select %eq3A_138, %broadcast_in_dim3A_140, %select_n3A_121 : vector<8x256xi1>, vector<8x256xi32>
      %swap3A = arith.constant 0 : index
      %swap3A_142 = arith.constant 0 : index
      %swap3A_143 = vector.load %arg11[%swap3A, %swap3A_142] : memref<8x256xi32, #tpu.memory_space<vmem>>, vector<8x256xi32>
      tpu.vector_store %arg11[%swap3A, %swap3A_142], %select_n3A_141 {strides = array<i32>} : memref<8x256xi32, #tpu.memory_space<vmem>>, vector<8x256xi32>,
    } else {
    }
    return
  }
  func.func @transform_0(%arg0: i32, %arg1: i32) -> (i32, i32) {
    %eq3A = arith.constant 0 : i32
    %eq3A_0 = arith.cmpi eq, %arg0, %eq3A : i32
    %jit3A = arith.constant 15 : i32
    %select_n3A = arith.select %eq3A_0, %arg1, %jit3A : i32
    %c0_i32 = arith.constant 0 : i32
    %c0_i32_1 = arith.constant 0 : i32
    return %select_n3A, %c0_i32 : i32, i32
  }
  func.func @transform_1(%arg0: i32, %arg1: i32) -> (i32, i32) {
    %c0_i32 = arith.constant 0 : i32
    %c0_i32_0 = arith.constant 0 : i32
    %c0_i32_1 = arith.constant 0 : i32
    return %c0_i32, %c0_i32_0 : i32, i32
  }
  func.func @transform_2(%arg0: i32, %arg1: i32) -> (i32, i32) {
    %c0_i32 = arith.constant 0 : i32
    %c0_i32_0 = arith.constant 0 : i32
    %c0_i32_1 = arith.constant 0 : i32
    return %c0_i32, %c0_i32_0 : i32, i32
  }
  func.func @transform_3(%arg0: i32, %arg1: i32) -> (i32, i32) {
    %c0_i32 = arith.constant 0 : i32
    %c0_i32_0 = arith.constant 0 : i32
    %c0_i32_1 = arith.constant 0 : i32
    return %c0_i32, %c0_i32_0 : i32, i32
  }
  func.func @transform_4(%arg0: i32, %arg1: i32) -> (i32, i32) {
    %c0_i32 = arith.constant 0 : i32
    %c0_i32_0 = arith.constant 0 : i32
    %c0_i32_1 = arith.constant 0 : i32
    return %c0_i32, %c0_i32_0 : i32, i32
  }
  func.func @transform_5(%arg0: i32, %arg1: i32) -> (i32, i32) {
    %c0_i32 = arith.constant 0 : i32
    %c0_i32_0 = arith.constant 0 : i32
    %c0_i32_1 = arith.constant 0 : i32
    return %c0_i32, %c0_i32_0 : i32, i32
  }
  func.func @transform_6(%arg0: i32, %arg1: i32) -> (i32, i32) {
    %c0_i32 = arith.constant 0 : i32
    %c0_i32_0 = arith.constant 0 : i32
    %c0_i32_1 = arith.constant 0 : i32
    return %c0_i32, %c0_i32_0 : i32, i32
  }
  func.func @transform_7(%arg0: i32, %arg1: i32) -> (i32, i32) {
    %eq3A = arith.constant 1 : i32
    %eq3A_0 = arith.cmpi eq, %arg0, %eq3A : i32
    %eq3A_1 = arith.constant 0 : i32
    %eq3A_2 = arith.cmpi eq, %arg0, %eq3A_1 : i32
    %jit3A = arith.constant 0 : i32
    %jit3A_3 = arith.constant 15 : i32
    %select_n3A = arith.select %eq3A_2, %jit3A, %jit3A_3 : i32
    %select_n3A_4 = arith.select %eq3A_0, %arg1, %select_n3A : i32
    %c0_i32 = arith.constant 0 : i32
    %c0_i32_5 = arith.constant 0 : i32
    return %select_n3A_4, %c0_i32 : i32, i32
  }
  func.func @transform_8(%arg0: i32, %arg1: i32) -> (i32, i32) {
    %eq3A = arith.constant 1 : i32
    %eq3A_0 = arith.cmpi eq, %arg0, %eq3A : i32
    %eq3A_1 = arith.constant 0 : i32
    %eq3A_2 = arith.cmpi eq, %arg0, %eq3A_1 : i32
    %jit3A = arith.constant 0 : i32
    %jit3A_3 = arith.constant 15 : i32
    %select_n3A = arith.select %eq3A_2, %jit3A, %jit3A_3 : i32
    %select_n3A_4 = arith.select %eq3A_0, %arg1, %select_n3A : i32
    %c0_i32 = arith.constant 0 : i32
    %c0_i32_5 = arith.constant 0 : i32
    return %select_n3A_4, %c0_i32 : i32, i32
  }
  func.func @transform_9(%arg0: i32, %arg1: i32) -> (i32, i32) {
    %eq3A = arith.constant 2 : i32
    %eq3A_0 = arith.cmpi eq, %arg0, %eq3A : i32
    %jit3A = arith.constant 0 : i32
    %select_n3A = arith.select %eq3A_0, %arg1, %jit3A : i32
    %c0_i32 = arith.constant 0 : i32
    %c0_i32_1 = arith.constant 0 : i32
    return %c0_i32, %select_n3A : i32, i32
  }
}

module attributes {stable_mosaic.version = 14 : i64} {
  func.func @_fuse_body(%arg0: i32, %arg1: memref<256x512xf32, #tpu.memory_space<vmem>>, %arg2: memref<256x256xi32, #tpu.memory_space<vmem>>, %arg3: memref<256x256xi32, #tpu.memory_space<vmem>>, %arg4: memref<256x256xi32, #tpu.memory_space<vmem>>, %arg5: memref<256x256xi32, #tpu.memory_space<vmem>>, %arg6: memref<256x256xi32, #tpu.memory_space<vmem>>, %arg7: memref<256x256xi32, #tpu.memory_space<vmem>>, %arg8: memref<512x512xf32, #tpu.memory_space<vmem>>, %arg9: memref<1x512xf32, #tpu.memory_space<vmem>>, %arg10: memref<512x512xf32, #tpu.memory_space<vmem>>, %arg11: memref<1x512xf32, #tpu.memory_space<vmem>>, %arg12: memref<1x512xf32, #tpu.memory_space<vmem>>, %arg13: memref<1x512xf32, #tpu.memory_space<vmem>>, %arg14: memref<1x512xf32, #tpu.memory_space<vmem>>, %arg15: memref<1x512xf32, #tpu.memory_space<vmem>>) attributes {dimension_semantics = [#tpu.dimension_semantics<arbitrary>], iteration_bounds = array<i64: 16>, scalar_prefetch = 0 : i64, scratch_operands = 1 : i64, tpu.core_type = #tpu.core_type<tc>, window_params = [{transform_indices = @transform_0, window_bounds = array<i64: 256, 512>}, {transform_indices = @transform_1, window_bounds = array<i64: 256, 256>}, {transform_indices = @transform_2, window_bounds = array<i64: 256, 256>}, {transform_indices = @transform_3, window_bounds = array<i64: 256, 256>}, {transform_indices = @transform_4, window_bounds = array<i64: 256, 256>}, {transform_indices = @transform_5, window_bounds = array<i64: 256, 256>}, {transform_indices = @transform_6, window_bounds = array<i64: 256, 256>}, {pipeline_mode = #tpu.pipeline_mode<synchronous>, transform_indices = @transform_7, window_bounds = array<i64: 512, 512>}, {pipeline_mode = #tpu.pipeline_mode<synchronous>, transform_indices = @transform_8, window_bounds = array<i64: 1, 512>}, {pipeline_mode = #tpu.pipeline_mode<synchronous>, transform_indices = @transform_9, window_bounds = array<i64: 512, 512>}, {pipeline_mode = #tpu.pipeline_mode<synchronous>, transform_indices = @transform_10, window_bounds = array<i64: 1, 512>}, {pipeline_mode = #tpu.pipeline_mode<synchronous>, transform_indices = @transform_11, window_bounds = array<i64: 1, 512>}, {pipeline_mode = #tpu.pipeline_mode<synchronous>, transform_indices = @transform_12, window_bounds = array<i64: 1, 512>}, {pipeline_mode = #tpu.pipeline_mode<synchronous>, transform_indices = @transform_13, window_bounds = array<i64: 1, 512>}]} {
    %get3A = arith.constant 0 : index
    %get3A_0 = arith.constant 0 : index
    %get3A_1 = vector.load %arg1[%get3A, %get3A_0] : memref<256x512xf32, #tpu.memory_space<vmem>>, vector<256x512xf32>
    %slice3A = vector.extract_strided_slice %get3A_1 {offsets = [0, 0], sizes = [256, 256], strides = [1, 1]} : vector<256x512xf32> to vector<256x256xf32>
    %slice3A_2 = vector.extract_strided_slice %get3A_1 {offsets = [0, 256], sizes = [256, 256], strides = [1, 1]} : vector<256x512xf32> to vector<256x256xf32>
    %get3A_3 = arith.constant 0 : index
    %get3A_4 = arith.constant 0 : index
    %get3A_5 = vector.load %arg2[%get3A_3, %get3A_4] : memref<256x256xi32, #tpu.memory_space<vmem>>, vector<256x256xi32>
    %shift_left3A = arith.constant 16 : i32
    %shift_left3A_6 = vector.broadcast %shift_left3A : i32 to vector<256x256xi32>
    %shift_left3A_7 = arith.shli %get3A_5, %shift_left3A_6 : vector<256x256xi32>
    %bitcast_convert_type3A = tpu.bitcast %shift_left3A_7 : vector<256x256xi32> -> vector<256x256xf32>
    %and3A = arith.constant -65536 : i32
    %and3A_8 = vector.broadcast %and3A : i32 to vector<256x256xi32>
    %and3A_9 = arith.andi %get3A_5, %and3A_8 : vector<256x256xi32>
    %bitcast_convert_type3A_10 = tpu.bitcast %and3A_9 : vector<256x256xi32> -> vector<256x256xf32>
    %get3A_11 = arith.constant 0 : index
    %get3A_12 = arith.constant 0 : index
    %get3A_13 = vector.load %arg3[%get3A_11, %get3A_12] : memref<256x256xi32, #tpu.memory_space<vmem>>, vector<256x256xi32>
    %shift_left3A_14 = arith.constant 16 : i32
    %shift_left3A_15 = vector.broadcast %shift_left3A_14 : i32 to vector<256x256xi32>
    %shift_left3A_16 = arith.shli %get3A_13, %shift_left3A_15 : vector<256x256xi32>
    %bitcast_convert_type3A_17 = tpu.bitcast %shift_left3A_16 : vector<256x256xi32> -> vector<256x256xf32>
    %and3A_18 = arith.constant -65536 : i32
    %and3A_19 = vector.broadcast %and3A_18 : i32 to vector<256x256xi32>
    %and3A_20 = arith.andi %get3A_13, %and3A_19 : vector<256x256xi32>
    %bitcast_convert_type3A_21 = tpu.bitcast %and3A_20 : vector<256x256xi32> -> vector<256x256xf32>
    %get3A_22 = arith.constant 0 : index
    %get3A_23 = arith.constant 0 : index
    %get3A_24 = vector.load %arg4[%get3A_22, %get3A_23] : memref<256x256xi32, #tpu.memory_space<vmem>>, vector<256x256xi32>
    %shift_left3A_25 = arith.constant 16 : i32
    %shift_left3A_26 = vector.broadcast %shift_left3A_25 : i32 to vector<256x256xi32>
    %shift_left3A_27 = arith.shli %get3A_24, %shift_left3A_26 : vector<256x256xi32>
    %bitcast_convert_type3A_28 = tpu.bitcast %shift_left3A_27 : vector<256x256xi32> -> vector<256x256xf32>
    %and3A_29 = arith.constant -65536 : i32
    %and3A_30 = vector.broadcast %and3A_29 : i32 to vector<256x256xi32>
    %and3A_31 = arith.andi %get3A_24, %and3A_30 : vector<256x256xi32>
    %bitcast_convert_type3A_32 = tpu.bitcast %and3A_31 : vector<256x256xi32> -> vector<256x256xf32>
    %get3A_33 = arith.constant 0 : index
    %get3A_34 = arith.constant 0 : index
    %get3A_35 = vector.load %arg5[%get3A_33, %get3A_34] : memref<256x256xi32, #tpu.memory_space<vmem>>, vector<256x256xi32>
    %shift_left3A_36 = arith.constant 16 : i32
    %shift_left3A_37 = vector.broadcast %shift_left3A_36 : i32 to vector<256x256xi32>
    %shift_left3A_38 = arith.shli %get3A_35, %shift_left3A_37 : vector<256x256xi32>
    %bitcast_convert_type3A_39 = tpu.bitcast %shift_left3A_38 : vector<256x256xi32> -> vector<256x256xf32>
    %and3A_40 = arith.constant -65536 : i32
    %and3A_41 = vector.broadcast %and3A_40 : i32 to vector<256x256xi32>
    %and3A_42 = arith.andi %get3A_35, %and3A_41 : vector<256x256xi32>
    %bitcast_convert_type3A_43 = tpu.bitcast %and3A_42 : vector<256x256xi32> -> vector<256x256xf32>
    %get3A_44 = arith.constant 0 : index
    %get3A_45 = arith.constant 0 : index
    %get3A_46 = vector.load %arg6[%get3A_44, %get3A_45] : memref<256x256xi32, #tpu.memory_space<vmem>>, vector<256x256xi32>
    %shift_left3A_47 = arith.constant 16 : i32
    %shift_left3A_48 = vector.broadcast %shift_left3A_47 : i32 to vector<256x256xi32>
    %shift_left3A_49 = arith.shli %get3A_46, %shift_left3A_48 : vector<256x256xi32>
    %bitcast_convert_type3A_50 = tpu.bitcast %shift_left3A_49 : vector<256x256xi32> -> vector<256x256xf32>
    %and3A_51 = arith.constant -65536 : i32
    %and3A_52 = vector.broadcast %and3A_51 : i32 to vector<256x256xi32>
    %and3A_53 = arith.andi %get3A_46, %and3A_52 : vector<256x256xi32>
    %bitcast_convert_type3A_54 = tpu.bitcast %and3A_53 : vector<256x256xi32> -> vector<256x256xf32>
    %get3A_55 = arith.constant 0 : index
    %get3A_56 = arith.constant 0 : index
    %get3A_57 = vector.load %arg7[%get3A_55, %get3A_56] : memref<256x256xi32, #tpu.memory_space<vmem>>, vector<256x256xi32>
    %shift_left3A_58 = arith.constant 16 : i32
    %shift_left3A_59 = vector.broadcast %shift_left3A_58 : i32 to vector<256x256xi32>
    %shift_left3A_60 = arith.shli %get3A_57, %shift_left3A_59 : vector<256x256xi32>
    %bitcast_convert_type3A_61 = tpu.bitcast %shift_left3A_60 : vector<256x256xi32> -> vector<256x256xf32>
    %and3A_62 = arith.constant -65536 : i32
    %and3A_63 = vector.broadcast %and3A_62 : i32 to vector<256x256xi32>
    %and3A_64 = arith.andi %get3A_57, %and3A_63 : vector<256x256xi32>
    %bitcast_convert_type3A_65 = tpu.bitcast %and3A_64 : vector<256x256xi32> -> vector<256x256xf32>
    %mul3A = arith.mulf %slice3A, %bitcast_convert_type3A : vector<256x256xf32>
    %mul3A_66 = arith.mulf %slice3A_2, %bitcast_convert_type3A_10 : vector<256x256xf32>
    %add3A = arith.addf %mul3A, %mul3A_66 : vector<256x256xf32>
    %reduce_sum3A = arith.constant dense<0.000000e+00> : vector<256xf32>
    %reduce_sum3A_67 = vector.multi_reduction <add>, %add3A, %reduce_sum3A [1] : vector<256x256xf32> to vector<256xf32>
    %broadcast_in_dim3A = vector.shape_cast %reduce_sum3A_67 : vector<256xf32> to vector<256x1xf32>
    %mul3A_68 = arith.constant 0.0441941731 : f32
    %mul3A_69 = vector.broadcast %mul3A_68 : f32 to vector<256x1xf32>
    %mul3A_70 = arith.mulf %broadcast_in_dim3A, %mul3A_69 : vector<256x1xf32>
    %mul3A_71 = arith.mulf %slice3A, %bitcast_convert_type3A_17 : vector<256x256xf32>
    %mul3A_72 = arith.mulf %slice3A_2, %bitcast_convert_type3A_21 : vector<256x256xf32>
    %add3A_73 = arith.addf %mul3A_71, %mul3A_72 : vector<256x256xf32>
    %reduce_sum3A_74 = arith.constant dense<0.000000e+00> : vector<256xf32>
    %reduce_sum3A_75 = vector.multi_reduction <add>, %add3A_73, %reduce_sum3A_74 [1] : vector<256x256xf32> to vector<256xf32>
    %broadcast_in_dim3A_76 = vector.shape_cast %reduce_sum3A_75 : vector<256xf32> to vector<256x1xf32>
    %mul3A_77 = arith.constant 0.0441941731 : f32
    %mul3A_78 = vector.broadcast %mul3A_77 : f32 to vector<256x1xf32>
    %mul3A_79 = arith.mulf %broadcast_in_dim3A_76, %mul3A_78 : vector<256x1xf32>
    %mul3A_80 = arith.mulf %slice3A, %bitcast_convert_type3A_28 : vector<256x256xf32>
    %mul3A_81 = arith.mulf %slice3A_2, %bitcast_convert_type3A_32 : vector<256x256xf32>
    %add3A_82 = arith.addf %mul3A_80, %mul3A_81 : vector<256x256xf32>
    %reduce_sum3A_83 = arith.constant dense<0.000000e+00> : vector<256xf32>
    %reduce_sum3A_84 = vector.multi_reduction <add>, %add3A_82, %reduce_sum3A_83 [1] : vector<256x256xf32> to vector<256xf32>
    %broadcast_in_dim3A_85 = vector.shape_cast %reduce_sum3A_84 : vector<256xf32> to vector<256x1xf32>
    %mul3A_86 = arith.constant 0.0441941731 : f32
    %mul3A_87 = vector.broadcast %mul3A_86 : f32 to vector<256x1xf32>
    %mul3A_88 = arith.mulf %broadcast_in_dim3A_85, %mul3A_87 : vector<256x1xf32>
    %mul3A_89 = arith.mulf %slice3A, %bitcast_convert_type3A_39 : vector<256x256xf32>
    %mul3A_90 = arith.mulf %slice3A_2, %bitcast_convert_type3A_43 : vector<256x256xf32>
    %add3A_91 = arith.addf %mul3A_89, %mul3A_90 : vector<256x256xf32>
    %reduce_sum3A_92 = arith.constant dense<0.000000e+00> : vector<256xf32>
    %reduce_sum3A_93 = vector.multi_reduction <add>, %add3A_91, %reduce_sum3A_92 [1] : vector<256x256xf32> to vector<256xf32>
    %broadcast_in_dim3A_94 = vector.shape_cast %reduce_sum3A_93 : vector<256xf32> to vector<256x1xf32>
    %mul3A_95 = arith.constant 0.0441941731 : f32
    %mul3A_96 = vector.broadcast %mul3A_95 : f32 to vector<256x1xf32>
    %mul3A_97 = arith.mulf %broadcast_in_dim3A_94, %mul3A_96 : vector<256x1xf32>
    %mul3A_98 = arith.mulf %slice3A, %bitcast_convert_type3A_50 : vector<256x256xf32>
    %mul3A_99 = arith.mulf %slice3A_2, %bitcast_convert_type3A_54 : vector<256x256xf32>
    %add3A_100 = arith.addf %mul3A_98, %mul3A_99 : vector<256x256xf32>
    %reduce_sum3A_101 = arith.constant dense<0.000000e+00> : vector<256xf32>
    %reduce_sum3A_102 = vector.multi_reduction <add>, %add3A_100, %reduce_sum3A_101 [1] : vector<256x256xf32> to vector<256xf32>
    %broadcast_in_dim3A_103 = vector.shape_cast %reduce_sum3A_102 : vector<256xf32> to vector<256x1xf32>
    %mul3A_104 = arith.constant 0.0441941731 : f32
    %mul3A_105 = vector.broadcast %mul3A_104 : f32 to vector<256x1xf32>
    %mul3A_106 = arith.mulf %broadcast_in_dim3A_103, %mul3A_105 : vector<256x1xf32>
    %mul3A_107 = arith.mulf %slice3A, %bitcast_convert_type3A_61 : vector<256x256xf32>
    %mul3A_108 = arith.mulf %slice3A_2, %bitcast_convert_type3A_65 : vector<256x256xf32>
    %add3A_109 = arith.addf %mul3A_107, %mul3A_108 : vector<256x256xf32>
    %reduce_sum3A_110 = arith.constant dense<0.000000e+00> : vector<256xf32>
    %reduce_sum3A_111 = vector.multi_reduction <add>, %add3A_109, %reduce_sum3A_110 [1] : vector<256x256xf32> to vector<256xf32>
    %broadcast_in_dim3A_112 = vector.shape_cast %reduce_sum3A_111 : vector<256xf32> to vector<256x1xf32>
    %mul3A_113 = arith.constant 0.0441941731 : f32
    %mul3A_114 = vector.broadcast %mul3A_113 : f32 to vector<256x1xf32>
    %mul3A_115 = arith.mulf %broadcast_in_dim3A_112, %mul3A_114 : vector<256x1xf32>
    %max3A = arith.maximumf %mul3A_70, %mul3A_79 : vector<256x1xf32>
    %max3A_116 = arith.maximumf %max3A, %mul3A_88 : vector<256x1xf32>
    %max3A_117 = arith.maximumf %max3A_116, %mul3A_97 : vector<256x1xf32>
    %max3A_118 = arith.maximumf %max3A_117, %mul3A_106 : vector<256x1xf32>
    %max3A_119 = arith.maximumf %max3A_118, %mul3A_115 : vector<256x1xf32>
    %sub3A = arith.subf %mul3A_70, %max3A_119 : vector<256x1xf32>
    %exp3A = math.exp %sub3A : vector<256x1xf32>
    %sub3A_120 = arith.subf %mul3A_79, %max3A_119 : vector<256x1xf32>
    %exp3A_121 = math.exp %sub3A_120 : vector<256x1xf32>
    %sub3A_122 = arith.subf %mul3A_88, %max3A_119 : vector<256x1xf32>
    %exp3A_123 = math.exp %sub3A_122 : vector<256x1xf32>
    %sub3A_124 = arith.subf %mul3A_97, %max3A_119 : vector<256x1xf32>
    %exp3A_125 = math.exp %sub3A_124 : vector<256x1xf32>
    %sub3A_126 = arith.subf %mul3A_106, %max3A_119 : vector<256x1xf32>
    %exp3A_127 = math.exp %sub3A_126 : vector<256x1xf32>
    %sub3A_128 = arith.subf %mul3A_115, %max3A_119 : vector<256x1xf32>
    %exp3A_129 = math.exp %sub3A_128 : vector<256x1xf32>
    %add3A_130 = arith.addf %exp3A, %exp3A_121 : vector<256x1xf32>
    %add3A_131 = arith.addf %add3A_130, %exp3A_123 : vector<256x1xf32>
    %add3A_132 = arith.addf %add3A_131, %exp3A_125 : vector<256x1xf32>
    %add3A_133 = arith.addf %add3A_132, %exp3A_127 : vector<256x1xf32>
    %add3A_134 = arith.addf %add3A_133, %exp3A_129 : vector<256x1xf32>
    %div3A = arith.divf %exp3A, %add3A_134 : vector<256x1xf32>
    %div3A_135 = arith.divf %exp3A_121, %add3A_134 : vector<256x1xf32>
    %div3A_136 = arith.divf %exp3A_123, %add3A_134 : vector<256x1xf32>
    %div3A_137 = arith.divf %exp3A_125, %add3A_134 : vector<256x1xf32>
    %div3A_138 = arith.divf %exp3A_127, %add3A_134 : vector<256x1xf32>
    %div3A_139 = arith.divf %exp3A_129, %add3A_134 : vector<256x1xf32>
    %add3A_140 = arith.addf %bitcast_convert_type3A, %bitcast_convert_type3A_10 : vector<256x256xf32>
    %reduce_sum3A_141 = arith.constant dense<0.000000e+00> : vector<256xf32>
    %reduce_sum3A_142 = vector.multi_reduction <add>, %add3A_140, %reduce_sum3A_141 [1] : vector<256x256xf32> to vector<256xf32>
    %broadcast_in_dim3A_143 = vector.shape_cast %reduce_sum3A_142 : vector<256xf32> to vector<256x1xf32>
    %mul3A_144 = vector.broadcast %div3A : vector<256x1xf32> to vector<256x256xf32>
    %mul3A_145 = arith.mulf %mul3A_144, %bitcast_convert_type3A : vector<256x256xf32>
    %sub3A_146 = arith.constant 2.000000e+00 : f32
    %sub3A_147 = vector.broadcast %sub3A_146 : f32 to vector<256x1xf32>
    %sub3A_148 = arith.subf %sub3A_147, %div3A : vector<256x1xf32>
    %mul3A_149 = vector.broadcast %sub3A_148 : vector<256x1xf32> to vector<256x256xf32>
    %mul3A_150 = arith.mulf %mul3A_149, %slice3A : vector<256x256xf32>
    %add3A_151 = arith.addf %mul3A_145, %mul3A_150 : vector<256x256xf32>
    %tanh3A = math.tanh %add3A_151 : vector<256x256xf32>
    %mul3A_152 = vector.broadcast %div3A : vector<256x1xf32> to vector<256x256xf32>
    %mul3A_153 = arith.mulf %mul3A_152, %bitcast_convert_type3A_10 : vector<256x256xf32>
    %sub3A_154 = arith.constant 2.000000e+00 : f32
    %sub3A_155 = vector.broadcast %sub3A_154 : f32 to vector<256x1xf32>
    %sub3A_156 = arith.subf %sub3A_155, %div3A : vector<256x1xf32>
    %mul3A_157 = vector.broadcast %sub3A_156 : vector<256x1xf32> to vector<256x256xf32>
    %mul3A_158 = arith.mulf %mul3A_157, %slice3A_2 : vector<256x256xf32>
    %add3A_159 = arith.addf %mul3A_153, %mul3A_158 : vector<256x256xf32>
    %tanh3A_160 = math.tanh %add3A_159 : vector<256x256xf32>
    %add3A_161 = arith.addf %tanh3A, %tanh3A_160 : vector<256x256xf32>
    %reduce_sum3A_162 = arith.constant dense<0.000000e+00> : vector<256xf32>
    %reduce_sum3A_163 = vector.multi_reduction <add>, %add3A_161, %reduce_sum3A_162 [1] : vector<256x256xf32> to vector<256xf32>
    %broadcast_in_dim3A_164 = vector.shape_cast %reduce_sum3A_163 : vector<256xf32> to vector<256x1xf32>
    %mul3A_165 = arith.mulf %broadcast_in_dim3A_143, %broadcast_in_dim3A_164 : vector<256x1xf32>
    %add3A_166 = arith.addf %bitcast_convert_type3A_17, %bitcast_convert_type3A_21 : vector<256x256xf32>
    %reduce_sum3A_167 = arith.constant dense<0.000000e+00> : vector<256xf32>
    %reduce_sum3A_168 = vector.multi_reduction <add>, %add3A_166, %reduce_sum3A_167 [1] : vector<256x256xf32> to vector<256xf32>
    %broadcast_in_dim3A_169 = vector.shape_cast %reduce_sum3A_168 : vector<256xf32> to vector<256x1xf32>
    %mul3A_170 = vector.broadcast %div3A_135 : vector<256x1xf32> to vector<256x256xf32>
    %mul3A_171 = arith.mulf %mul3A_170, %bitcast_convert_type3A_17 : vector<256x256xf32>
    %sub3A_172 = arith.constant 2.000000e+00 : f32
    %sub3A_173 = vector.broadcast %sub3A_172 : f32 to vector<256x1xf32>
    %sub3A_174 = arith.subf %sub3A_173, %div3A_135 : vector<256x1xf32>
    %mul3A_175 = vector.broadcast %sub3A_174 : vector<256x1xf32> to vector<256x256xf32>
    %mul3A_176 = arith.mulf %mul3A_175, %slice3A : vector<256x256xf32>
    %add3A_177 = arith.addf %mul3A_171, %mul3A_176 : vector<256x256xf32>
    %tanh3A_178 = math.tanh %add3A_177 : vector<256x256xf32>
    %mul3A_179 = vector.broadcast %div3A_135 : vector<256x1xf32> to vector<256x256xf32>
    %mul3A_180 = arith.mulf %mul3A_179, %bitcast_convert_type3A_21 : vector<256x256xf32>
    %sub3A_181 = arith.constant 2.000000e+00 : f32
    %sub3A_182 = vector.broadcast %sub3A_181 : f32 to vector<256x1xf32>
    %sub3A_183 = arith.subf %sub3A_182, %div3A_135 : vector<256x1xf32>
    %mul3A_184 = vector.broadcast %sub3A_183 : vector<256x1xf32> to vector<256x256xf32>
    %mul3A_185 = arith.mulf %mul3A_184, %slice3A_2 : vector<256x256xf32>
    %add3A_186 = arith.addf %mul3A_180, %mul3A_185 : vector<256x256xf32>
    %tanh3A_187 = math.tanh %add3A_186 : vector<256x256xf32>
    %add3A_188 = arith.addf %tanh3A_178, %tanh3A_187 : vector<256x256xf32>
    %reduce_sum3A_189 = arith.constant dense<0.000000e+00> : vector<256xf32>
    %reduce_sum3A_190 = vector.multi_reduction <add>, %add3A_188, %reduce_sum3A_189 [1] : vector<256x256xf32> to vector<256xf32>
    %broadcast_in_dim3A_191 = vector.shape_cast %reduce_sum3A_190 : vector<256xf32> to vector<256x1xf32>
    %mul3A_192 = arith.mulf %broadcast_in_dim3A_169, %broadcast_in_dim3A_191 : vector<256x1xf32>
    %add3A_193 = arith.addf %bitcast_convert_type3A_28, %bitcast_convert_type3A_32 : vector<256x256xf32>
    %reduce_sum3A_194 = arith.constant dense<0.000000e+00> : vector<256xf32>
    %reduce_sum3A_195 = vector.multi_reduction <add>, %add3A_193, %reduce_sum3A_194 [1] : vector<256x256xf32> to vector<256xf32>
    %broadcast_in_dim3A_196 = vector.shape_cast %reduce_sum3A_195 : vector<256xf32> to vector<256x1xf32>
    %mul3A_197 = vector.broadcast %div3A_136 : vector<256x1xf32> to vector<256x256xf32>
    %mul3A_198 = arith.mulf %mul3A_197, %bitcast_convert_type3A_28 : vector<256x256xf32>
    %sub3A_199 = arith.constant 2.000000e+00 : f32
    %sub3A_200 = vector.broadcast %sub3A_199 : f32 to vector<256x1xf32>
    %sub3A_201 = arith.subf %sub3A_200, %div3A_136 : vector<256x1xf32>
    %mul3A_202 = vector.broadcast %sub3A_201 : vector<256x1xf32> to vector<256x256xf32>
    %mul3A_203 = arith.mulf %mul3A_202, %slice3A : vector<256x256xf32>
    %add3A_204 = arith.addf %mul3A_198, %mul3A_203 : vector<256x256xf32>
    %tanh3A_205 = math.tanh %add3A_204 : vector<256x256xf32>
    %mul3A_206 = vector.broadcast %div3A_136 : vector<256x1xf32> to vector<256x256xf32>
    %mul3A_207 = arith.mulf %mul3A_206, %bitcast_convert_type3A_32 : vector<256x256xf32>
    %sub3A_208 = arith.constant 2.000000e+00 : f32
    %sub3A_209 = vector.broadcast %sub3A_208 : f32 to vector<256x1xf32>
    %sub3A_210 = arith.subf %sub3A_209, %div3A_136 : vector<256x1xf32>
    %mul3A_211 = vector.broadcast %sub3A_210 : vector<256x1xf32> to vector<256x256xf32>
    %mul3A_212 = arith.mulf %mul3A_211, %slice3A_2 : vector<256x256xf32>
    %add3A_213 = arith.addf %mul3A_207, %mul3A_212 : vector<256x256xf32>
    %tanh3A_214 = math.tanh %add3A_213 : vector<256x256xf32>
    %add3A_215 = arith.addf %tanh3A_205, %tanh3A_214 : vector<256x256xf32>
    %reduce_sum3A_216 = arith.constant dense<0.000000e+00> : vector<256xf32>
    %reduce_sum3A_217 = vector.multi_reduction <add>, %add3A_215, %reduce_sum3A_216 [1] : vector<256x256xf32> to vector<256xf32>
    %broadcast_in_dim3A_218 = vector.shape_cast %reduce_sum3A_217 : vector<256xf32> to vector<256x1xf32>
    %mul3A_219 = arith.mulf %broadcast_in_dim3A_196, %broadcast_in_dim3A_218 : vector<256x1xf32>
    %add3A_220 = arith.addf %bitcast_convert_type3A_39, %bitcast_convert_type3A_43 : vector<256x256xf32>
    %reduce_sum3A_221 = arith.constant dense<0.000000e+00> : vector<256xf32>
    %reduce_sum3A_222 = vector.multi_reduction <add>, %add3A_220, %reduce_sum3A_221 [1] : vector<256x256xf32> to vector<256xf32>
    %broadcast_in_dim3A_223 = vector.shape_cast %reduce_sum3A_222 : vector<256xf32> to vector<256x1xf32>
    %mul3A_224 = vector.broadcast %div3A_137 : vector<256x1xf32> to vector<256x256xf32>
    %mul3A_225 = arith.mulf %mul3A_224, %bitcast_convert_type3A_39 : vector<256x256xf32>
    %sub3A_226 = arith.constant 2.000000e+00 : f32
    %sub3A_227 = vector.broadcast %sub3A_226 : f32 to vector<256x1xf32>
    %sub3A_228 = arith.subf %sub3A_227, %div3A_137 : vector<256x1xf32>
    %mul3A_229 = vector.broadcast %sub3A_228 : vector<256x1xf32> to vector<256x256xf32>
    %mul3A_230 = arith.mulf %mul3A_229, %slice3A : vector<256x256xf32>
    %add3A_231 = arith.addf %mul3A_225, %mul3A_230 : vector<256x256xf32>
    %tanh3A_232 = math.tanh %add3A_231 : vector<256x256xf32>
    %mul3A_233 = vector.broadcast %div3A_137 : vector<256x1xf32> to vector<256x256xf32>
    %mul3A_234 = arith.mulf %mul3A_233, %bitcast_convert_type3A_43 : vector<256x256xf32>
    %sub3A_235 = arith.constant 2.000000e+00 : f32
    %sub3A_236 = vector.broadcast %sub3A_235 : f32 to vector<256x1xf32>
    %sub3A_237 = arith.subf %sub3A_236, %div3A_137 : vector<256x1xf32>
    %mul3A_238 = vector.broadcast %sub3A_237 : vector<256x1xf32> to vector<256x256xf32>
    %mul3A_239 = arith.mulf %mul3A_238, %slice3A_2 : vector<256x256xf32>
    %add3A_240 = arith.addf %mul3A_234, %mul3A_239 : vector<256x256xf32>
    %tanh3A_241 = math.tanh %add3A_240 : vector<256x256xf32>
    %add3A_242 = arith.addf %tanh3A_232, %tanh3A_241 : vector<256x256xf32>
    %reduce_sum3A_243 = arith.constant dense<0.000000e+00> : vector<256xf32>
    %reduce_sum3A_244 = vector.multi_reduction <add>, %add3A_242, %reduce_sum3A_243 [1] : vector<256x256xf32> to vector<256xf32>
    %broadcast_in_dim3A_245 = vector.shape_cast %reduce_sum3A_244 : vector<256xf32> to vector<256x1xf32>
    %mul3A_246 = arith.mulf %broadcast_in_dim3A_223, %broadcast_in_dim3A_245 : vector<256x1xf32>
    %add3A_247 = arith.addf %bitcast_convert_type3A_50, %bitcast_convert_type3A_54 : vector<256x256xf32>
    %reduce_sum3A_248 = arith.constant dense<0.000000e+00> : vector<256xf32>
    %reduce_sum3A_249 = vector.multi_reduction <add>, %add3A_247, %reduce_sum3A_248 [1] : vector<256x256xf32> to vector<256xf32>
    %broadcast_in_dim3A_250 = vector.shape_cast %reduce_sum3A_249 : vector<256xf32> to vector<256x1xf32>
    %mul3A_251 = vector.broadcast %div3A_138 : vector<256x1xf32> to vector<256x256xf32>
    %mul3A_252 = arith.mulf %mul3A_251, %bitcast_convert_type3A_50 : vector<256x256xf32>
    %sub3A_253 = arith.constant 2.000000e+00 : f32
    %sub3A_254 = vector.broadcast %sub3A_253 : f32 to vector<256x1xf32>
    %sub3A_255 = arith.subf %sub3A_254, %div3A_138 : vector<256x1xf32>
    %mul3A_256 = vector.broadcast %sub3A_255 : vector<256x1xf32> to vector<256x256xf32>
    %mul3A_257 = arith.mulf %mul3A_256, %slice3A : vector<256x256xf32>
    %add3A_258 = arith.addf %mul3A_252, %mul3A_257 : vector<256x256xf32>
    %tanh3A_259 = math.tanh %add3A_258 : vector<256x256xf32>
    %mul3A_260 = vector.broadcast %div3A_138 : vector<256x1xf32> to vector<256x256xf32>
    %mul3A_261 = arith.mulf %mul3A_260, %bitcast_convert_type3A_54 : vector<256x256xf32>
    %sub3A_262 = arith.constant 2.000000e+00 : f32
    %sub3A_263 = vector.broadcast %sub3A_262 : f32 to vector<256x1xf32>
    %sub3A_264 = arith.subf %sub3A_263, %div3A_138 : vector<256x1xf32>
    %mul3A_265 = vector.broadcast %sub3A_264 : vector<256x1xf32> to vector<256x256xf32>
    %mul3A_266 = arith.mulf %mul3A_265, %slice3A_2 : vector<256x256xf32>
    %add3A_267 = arith.addf %mul3A_261, %mul3A_266 : vector<256x256xf32>
    %tanh3A_268 = math.tanh %add3A_267 : vector<256x256xf32>
    %add3A_269 = arith.addf %tanh3A_259, %tanh3A_268 : vector<256x256xf32>
    %reduce_sum3A_270 = arith.constant dense<0.000000e+00> : vector<256xf32>
    %reduce_sum3A_271 = vector.multi_reduction <add>, %add3A_269, %reduce_sum3A_270 [1] : vector<256x256xf32> to vector<256xf32>
    %broadcast_in_dim3A_272 = vector.shape_cast %reduce_sum3A_271 : vector<256xf32> to vector<256x1xf32>
    %mul3A_273 = arith.mulf %broadcast_in_dim3A_250, %broadcast_in_dim3A_272 : vector<256x1xf32>
    %add3A_274 = arith.addf %bitcast_convert_type3A_61, %bitcast_convert_type3A_65 : vector<256x256xf32>
    %reduce_sum3A_275 = arith.constant dense<0.000000e+00> : vector<256xf32>
    %reduce_sum3A_276 = vector.multi_reduction <add>, %add3A_274, %reduce_sum3A_275 [1] : vector<256x256xf32> to vector<256xf32>
    %broadcast_in_dim3A_277 = vector.shape_cast %reduce_sum3A_276 : vector<256xf32> to vector<256x1xf32>
    %mul3A_278 = vector.broadcast %div3A_139 : vector<256x1xf32> to vector<256x256xf32>
    %mul3A_279 = arith.mulf %mul3A_278, %bitcast_convert_type3A_61 : vector<256x256xf32>
    %sub3A_280 = arith.constant 2.000000e+00 : f32
    %sub3A_281 = vector.broadcast %sub3A_280 : f32 to vector<256x1xf32>
    %sub3A_282 = arith.subf %sub3A_281, %div3A_139 : vector<256x1xf32>
    %mul3A_283 = vector.broadcast %sub3A_282 : vector<256x1xf32> to vector<256x256xf32>
    %mul3A_284 = arith.mulf %mul3A_283, %slice3A : vector<256x256xf32>
    %add3A_285 = arith.addf %mul3A_279, %mul3A_284 : vector<256x256xf32>
    %tanh3A_286 = math.tanh %add3A_285 : vector<256x256xf32>
    %mul3A_287 = vector.broadcast %div3A_139 : vector<256x1xf32> to vector<256x256xf32>
    %mul3A_288 = arith.mulf %mul3A_287, %bitcast_convert_type3A_65 : vector<256x256xf32>
    %sub3A_289 = arith.constant 2.000000e+00 : f32
    %sub3A_290 = vector.broadcast %sub3A_289 : f32 to vector<256x1xf32>
    %sub3A_291 = arith.subf %sub3A_290, %div3A_139 : vector<256x1xf32>
    %mul3A_292 = vector.broadcast %sub3A_291 : vector<256x1xf32> to vector<256x256xf32>
    %mul3A_293 = arith.mulf %mul3A_292, %slice3A_2 : vector<256x256xf32>
    %add3A_294 = arith.addf %mul3A_288, %mul3A_293 : vector<256x256xf32>
    %tanh3A_295 = math.tanh %add3A_294 : vector<256x256xf32>
    %add3A_296 = arith.addf %tanh3A_286, %tanh3A_295 : vector<256x256xf32>
    %reduce_sum3A_297 = arith.constant dense<0.000000e+00> : vector<256xf32>
    %reduce_sum3A_298 = vector.multi_reduction <add>, %add3A_296, %reduce_sum3A_297 [1] : vector<256x256xf32> to vector<256xf32>
    %broadcast_in_dim3A_299 = vector.shape_cast %reduce_sum3A_298 : vector<256xf32> to vector<256x1xf32>
    %mul3A_300 = arith.mulf %broadcast_in_dim3A_277, %broadcast_in_dim3A_299 : vector<256x1xf32>
    %max3A_301 = arith.maximumf %mul3A_165, %mul3A_192 : vector<256x1xf32>
    %max3A_302 = arith.maximumf %max3A_301, %mul3A_219 : vector<256x1xf32>
    %max3A_303 = arith.maximumf %max3A_302, %mul3A_246 : vector<256x1xf32>
    %max3A_304 = arith.maximumf %max3A_303, %mul3A_273 : vector<256x1xf32>
    %max3A_305 = arith.maximumf %max3A_304, %mul3A_300 : vector<256x1xf32>
    %sub3A_306 = arith.subf %mul3A_165, %max3A_305 : vector<256x1xf32>
    %exp3A_307 = math.exp %sub3A_306 : vector<256x1xf32>
    %sub3A_308 = arith.subf %mul3A_192, %max3A_305 : vector<256x1xf32>
    %exp3A_309 = math.exp %sub3A_308 : vector<256x1xf32>
    %sub3A_310 = arith.subf %mul3A_219, %max3A_305 : vector<256x1xf32>
    %exp3A_311 = math.exp %sub3A_310 : vector<256x1xf32>
    %sub3A_312 = arith.subf %mul3A_246, %max3A_305 : vector<256x1xf32>
    %exp3A_313 = math.exp %sub3A_312 : vector<256x1xf32>
    %sub3A_314 = arith.subf %mul3A_273, %max3A_305 : vector<256x1xf32>
    %exp3A_315 = math.exp %sub3A_314 : vector<256x1xf32>
    %sub3A_316 = arith.subf %mul3A_300, %max3A_305 : vector<256x1xf32>
    %exp3A_317 = math.exp %sub3A_316 : vector<256x1xf32>
    %add3A_318 = arith.addf %exp3A_307, %exp3A_309 : vector<256x1xf32>
    %add3A_319 = arith.addf %add3A_318, %exp3A_311 : vector<256x1xf32>
    %add3A_320 = arith.addf %add3A_319, %exp3A_313 : vector<256x1xf32>
    %add3A_321 = arith.addf %add3A_320, %exp3A_315 : vector<256x1xf32>
    %add3A_322 = arith.addf %add3A_321, %exp3A_317 : vector<256x1xf32>
    %div3A_323 = arith.divf %exp3A_307, %add3A_322 : vector<256x1xf32>
    %div3A_324 = arith.divf %exp3A_309, %add3A_322 : vector<256x1xf32>
    %div3A_325 = arith.divf %exp3A_311, %add3A_322 : vector<256x1xf32>
    %div3A_326 = arith.divf %exp3A_313, %add3A_322 : vector<256x1xf32>
    %div3A_327 = arith.divf %exp3A_315, %add3A_322 : vector<256x1xf32>
    %div3A_328 = arith.divf %exp3A_317, %add3A_322 : vector<256x1xf32>
    %mul3A_329 = vector.broadcast %div3A_323 : vector<256x1xf32> to vector<256x256xf32>
    %mul3A_330 = arith.mulf %mul3A_329, %bitcast_convert_type3A : vector<256x256xf32>
    %mul3A_331 = vector.broadcast %div3A_323 : vector<256x1xf32> to vector<256x256xf32>
    %mul3A_332 = arith.mulf %mul3A_331, %bitcast_convert_type3A_10 : vector<256x256xf32>
    %mul3A_333 = vector.broadcast %div3A_324 : vector<256x1xf32> to vector<256x256xf32>
    %mul3A_334 = arith.mulf %mul3A_333, %bitcast_convert_type3A_17 : vector<256x256xf32>
    %add3A_335 = arith.addf %mul3A_330, %mul3A_334 : vector<256x256xf32>
    %mul3A_336 = vector.broadcast %div3A_324 : vector<256x1xf32> to vector<256x256xf32>
    %mul3A_337 = arith.mulf %mul3A_336, %bitcast_convert_type3A_21 : vector<256x256xf32>
    %add3A_338 = arith.addf %mul3A_332, %mul3A_337 : vector<256x256xf32>
    %mul3A_339 = vector.broadcast %div3A_325 : vector<256x1xf32> to vector<256x256xf32>
    %mul3A_340 = arith.mulf %mul3A_339, %bitcast_convert_type3A_28 : vector<256x256xf32>
    %add3A_341 = arith.addf %add3A_335, %mul3A_340 : vector<256x256xf32>
    %mul3A_342 = vector.broadcast %div3A_325 : vector<256x1xf32> to vector<256x256xf32>
    %mul3A_343 = arith.mulf %mul3A_342, %bitcast_convert_type3A_32 : vector<256x256xf32>
    %add3A_344 = arith.addf %add3A_338, %mul3A_343 : vector<256x256xf32>
    %mul3A_345 = vector.broadcast %div3A_326 : vector<256x1xf32> to vector<256x256xf32>
    %mul3A_346 = arith.mulf %mul3A_345, %bitcast_convert_type3A_39 : vector<256x256xf32>
    %add3A_347 = arith.addf %add3A_341, %mul3A_346 : vector<256x256xf32>
    %mul3A_348 = vector.broadcast %div3A_326 : vector<256x1xf32> to vector<256x256xf32>
    %mul3A_349 = arith.mulf %mul3A_348, %bitcast_convert_type3A_43 : vector<256x256xf32>
    %add3A_350 = arith.addf %add3A_344, %mul3A_349 : vector<256x256xf32>
    %mul3A_351 = vector.broadcast %div3A_327 : vector<256x1xf32> to vector<256x256xf32>
    %mul3A_352 = arith.mulf %mul3A_351, %bitcast_convert_type3A_50 : vector<256x256xf32>
    %add3A_353 = arith.addf %add3A_347, %mul3A_352 : vector<256x256xf32>
    %mul3A_354 = vector.broadcast %div3A_327 : vector<256x1xf32> to vector<256x256xf32>
    %mul3A_355 = arith.mulf %mul3A_354, %bitcast_convert_type3A_54 : vector<256x256xf32>
    %add3A_356 = arith.addf %add3A_350, %mul3A_355 : vector<256x256xf32>
    %mul3A_357 = vector.broadcast %div3A_328 : vector<256x1xf32> to vector<256x256xf32>
    %mul3A_358 = arith.mulf %mul3A_357, %bitcast_convert_type3A_61 : vector<256x256xf32>
    %add3A_359 = arith.addf %add3A_353, %mul3A_358 : vector<256x256xf32>
    %mul3A_360 = vector.broadcast %div3A_328 : vector<256x1xf32> to vector<256x256xf32>
    %mul3A_361 = arith.mulf %mul3A_360, %bitcast_convert_type3A_65 : vector<256x256xf32>
    %add3A_362 = arith.addf %add3A_356, %mul3A_361 : vector<256x256xf32>
    %concatenate3A = tpu.concatenate %add3A_359, %add3A_362 in 1 : vector<256x256xf32>, vector<256x256xf32> -> vector<256x512xf32>
    %add3A_363 = arith.addf %get3A_1, %concatenate3A : vector<256x512xf32>
    %get3A_364 = arith.constant 0 : index
    %get3A_365 = arith.constant 0 : index
    %get3A_366 = vector.load %arg8[%get3A_364, %get3A_365] : memref<512x512xf32, #tpu.memory_space<vmem>>, vector<512x512xf32>
    %dot_general3A = arith.constant dense<0.000000e+00> : vector<256x512xf32>
    %dot_general3A_367 = tpu.matmul %add3A_363, %get3A_366, %dot_general3A {dimension_numbers = #tpu.dot_dimension_numbers<[1], [0], [0], [1], [0, 0, 1, 1], [], []>, transpose_lhs_hint = false} : vector<256x512xf32>, vector<512x512xf32>, vector<256x512xf32> -> vector<256x512xf32>
    %get3A_368 = arith.constant 0 : index
    %get3A_369 = arith.constant 0 : index
    %get3A_370 = vector.load %arg9[%get3A_368, %get3A_369] : memref<1x512xf32, #tpu.memory_space<vmem>>, vector<1x512xf32>
    %add3A_371 = vector.broadcast %get3A_370 : vector<1x512xf32> to vector<256x512xf32>
    %add3A_372 = arith.addf %dot_general3A_367, %add3A_371 : vector<256x512xf32>
    %jit3A = arith.constant 0.00999999977 : f32
    %ge3A = arith.constant 0.000000e+00 : f32
    %ge3A_373 = vector.broadcast %ge3A : f32 to vector<256x512xf32>
    %ge3A_374 = arith.cmpf oge, %add3A_372, %ge3A_373 : vector<256x512xf32>
    %mul3A_375 = vector.broadcast %jit3A : f32 to vector<256x512xf32>
    %mul3A_376 = arith.mulf %mul3A_375, %add3A_372 : vector<256x512xf32>
    %select_n3A = arith.select %ge3A_374, %add3A_372, %mul3A_376 : vector<256x512xi1>, vector<256x512xf32>
    %mul3A_377 = arith.mulf %get3A_1, %concatenate3A : vector<256x512xf32>
    %get3A_378 = arith.constant 0 : index
    %get3A_379 = arith.constant 0 : index
    %get3A_380 = vector.load %arg10[%get3A_378, %get3A_379] : memref<512x512xf32, #tpu.memory_space<vmem>>, vector<512x512xf32>
    %dot_general3A_381 = arith.constant dense<0.000000e+00> : vector<256x512xf32>
    %dot_general3A_382 = tpu.matmul %mul3A_377, %get3A_380, %dot_general3A_381 {dimension_numbers = #tpu.dot_dimension_numbers<[1], [0], [0], [1], [0, 0, 1, 1], [], []>, transpose_lhs_hint = false} : vector<256x512xf32>, vector<512x512xf32>, vector<256x512xf32> -> vector<256x512xf32>
    %get3A_383 = arith.constant 0 : index
    %get3A_384 = arith.constant 0 : index
    %get3A_385 = vector.load %arg11[%get3A_383, %get3A_384] : memref<1x512xf32, #tpu.memory_space<vmem>>, vector<1x512xf32>
    %add3A_386 = vector.broadcast %get3A_385 : vector<1x512xf32> to vector<256x512xf32>
    %add3A_387 = arith.addf %dot_general3A_382, %add3A_386 : vector<256x512xf32>
    %jit3A_388 = arith.constant 0.00999999977 : f32
    %ge3A_389 = arith.constant 0.000000e+00 : f32
    %ge3A_390 = vector.broadcast %ge3A_389 : f32 to vector<256x512xf32>
    %ge3A_391 = arith.cmpf oge, %add3A_387, %ge3A_390 : vector<256x512xf32>
    %mul3A_392 = vector.broadcast %jit3A_388 : f32 to vector<256x512xf32>
    %mul3A_393 = arith.mulf %mul3A_392, %add3A_387 : vector<256x512xf32>
    %select_n3A_394 = arith.select %ge3A_391, %add3A_387, %mul3A_393 : vector<256x512xi1>, vector<256x512xf32>
    %add3A_395 = arith.addf %select_n3A, %select_n3A_394 : vector<256x512xf32>
    %eq3A = arith.constant 0 : i32
    %eq3A_396 = arith.cmpi eq, %arg0, %eq3A : i32
    %convert_element_type3A = arith.extui %eq3A_396 : i1 to i32
    %cond3A = arith.constant 0 : i32
    %cond3A_397 = arith.cmpi ne, %convert_element_type3A, %cond3A : i32
    scf.if %cond3A_397 {
      %broadcast_in_dim3A_412 = arith.constant 0.000000e+00 : f32
      %broadcast_in_dim3A_413 = vector.broadcast %broadcast_in_dim3A_412 : f32 to vector<1x512xf32>
      %swap3A_414 = arith.constant 0 : index
      %swap3A_415 = arith.constant 0 : index
      %swap3A_416 = vector.load %arg15[%swap3A_414, %swap3A_415] : memref<1x512xf32, #tpu.memory_space<vmem>>, vector<1x512xf32>
      tpu.vector_store %arg15[%swap3A_414, %swap3A_415], %broadcast_in_dim3A_413 {strides = array<i32>} : memref<1x512xf32, #tpu.memory_space<vmem>>, vector<1x512xf32>,
    } else {
    }
    %get3A_398 = arith.constant 0 : index
    %get3A_399 = arith.constant 0 : index
    %get3A_400 = vector.load %arg15[%get3A_398, %get3A_399] : memref<1x512xf32, #tpu.memory_space<vmem>>, vector<1x512xf32>
    %reduce_sum3A_401 = arith.constant dense<0.000000e+00> : vector<512xf32>
    %reduce_sum3A_402 = vector.multi_reduction <add>, %add3A_395, %reduce_sum3A_401 [0] : vector<256x512xf32> to vector<512xf32>
    %broadcast_in_dim3A_403 = vector.shape_cast %reduce_sum3A_402 : vector<512xf32> to vector<1x512xf32>
    %add3A_404 = arith.addf %get3A_400, %broadcast_in_dim3A_403 : vector<1x512xf32>
    %swap3A = arith.constant 0 : index
    %swap3A_405 = arith.constant 0 : index
    %swap3A_406 = vector.load %arg15[%swap3A, %swap3A_405] : memref<1x512xf32, #tpu.memory_space<vmem>>, vector<1x512xf32>
    tpu.vector_store %arg15[%swap3A, %swap3A_405], %add3A_404 {strides = array<i32>} : memref<1x512xf32, #tpu.memory_space<vmem>>, vector<1x512xf32>,
    %eq3A_407 = arith.constant 15 : i32
    %eq3A_408 = arith.cmpi eq, %arg0, %eq3A_407 : i32
    %convert_element_type3A_409 = arith.extui %eq3A_408 : i1 to i32
    %cond3A_410 = arith.constant 0 : i32
    %cond3A_411 = arith.cmpi ne, %convert_element_type3A_409, %cond3A_410 : i32
    scf.if %cond3A_411 {
      %get3A_412 = arith.constant 0 : index
      %get3A_413 = arith.constant 0 : index
      %get3A_414 = vector.load %arg15[%get3A_412, %get3A_413] : memref<1x512xf32, #tpu.memory_space<vmem>>, vector<1x512xf32>
      %mul3A_415 = arith.constant 2.44140625E-4 : f32
      %mul3A_416 = vector.broadcast %mul3A_415 : f32 to vector<1x512xf32>
      %mul3A_417 = arith.mulf %get3A_414, %mul3A_416 : vector<1x512xf32>
      %reduce_sum3A_418 = arith.constant dense<0.000000e+00> : vector<1xf32>
      %reduce_sum3A_419 = vector.multi_reduction <add>, %mul3A_417, %reduce_sum3A_418 [1] : vector<1x512xf32> to vector<1xf32>
      %broadcast_in_dim3A_420 = vector.shape_cast %reduce_sum3A_419 : vector<1xf32> to vector<1x1xf32>
      %div3A_421 = arith.constant 5.120000e+02 : f32
      %div3A_422 = vector.broadcast %div3A_421 : f32 to vector<1x1xf32>
      %div3A_423 = arith.divf %broadcast_in_dim3A_420, %div3A_422 : vector<1x1xf32>
      %sub3A_424 = vector.broadcast %div3A_423 : vector<1x1xf32> to vector<1x512xf32>
      %sub3A_425 = arith.subf %mul3A_417, %sub3A_424 : vector<1x512xf32>
      %integer_pow3A = arith.mulf %sub3A_425, %sub3A_425 : vector<1x512xf32>
      %reduce_sum3A_426 = arith.constant dense<0.000000e+00> : vector<1xf32>
      %reduce_sum3A_427 = vector.multi_reduction <add>, %integer_pow3A, %reduce_sum3A_426 [1] : vector<1x512xf32> to vector<1xf32>
      %broadcast_in_dim3A_428 = vector.shape_cast %reduce_sum3A_427 : vector<1xf32> to vector<1x1xf32>
      %div3A_429 = arith.constant 5.120000e+02 : f32
      %div3A_430 = vector.broadcast %div3A_429 : f32 to vector<1x1xf32>
      %div3A_431 = arith.divf %broadcast_in_dim3A_428, %div3A_430 : vector<1x1xf32>
      %sub3A_432 = vector.broadcast %div3A_423 : vector<1x1xf32> to vector<1x512xf32>
      %sub3A_433 = arith.subf %mul3A_417, %sub3A_432 : vector<1x512xf32>
      %add3A_434 = arith.constant 9.99999974E-6 : f32
      %add3A_435 = vector.broadcast %add3A_434 : f32 to vector<1x1xf32>
      %add3A_436 = arith.addf %div3A_431, %add3A_435 : vector<1x1xf32>
      %rsqrt3A = math.rsqrt %add3A_436 : vector<1x1xf32>
      %mul3A_437 = vector.broadcast %rsqrt3A : vector<1x1xf32> to vector<1x512xf32>
      %mul3A_438 = arith.mulf %sub3A_433, %mul3A_437 : vector<1x512xf32>
      %get3A_439 = arith.constant 0 : index
      %get3A_440 = arith.constant 0 : index
      %get3A_441 = vector.load %arg12[%get3A_439, %get3A_440] : memref<1x512xf32, #tpu.memory_space<vmem>>, vector<1x512xf32>
      %mul3A_442 = arith.mulf %mul3A_438, %get3A_441 : vector<1x512xf32>
      %get3A_443 = arith.constant 0 : index
      %get3A_444 = arith.constant 0 : index
      %get3A_445 = vector.load %arg13[%get3A_443, %get3A_444] : memref<1x512xf32, #tpu.memory_space<vmem>>, vector<1x512xf32>
      %add3A_446 = arith.addf %mul3A_442, %get3A_445 : vector<1x512xf32>
      %swap3A_447 = arith.constant 0 : index
      %swap3A_448 = arith.constant 0 : index
      %swap3A_449 = vector.load %arg14[%swap3A_447, %swap3A_448] : memref<1x512xf32, #tpu.memory_space<vmem>>, vector<1x512xf32>
      tpu.vector_store %arg14[%swap3A_447, %swap3A_448], %add3A_446 {strides = array<i32>} : memref<1x512xf32, #tpu.memory_space<vmem>>, vector<1x512xf32>,
    } else {
    }
    return
  }
  func.func @transform_0(%arg0: i32) -> (i32, i32) {
    %c0_i32 = arith.constant 0 : i32
    %c0_i32_0 = arith.constant 0 : i32
    return %arg0, %c0_i32 : i32, i32
  }
  func.func @transform_1(%arg0: i32) -> (i32, i32) {
    %add3A = arith.constant 0 : i32
    %add3A_0 = arith.addi %add3A, %arg0 : i32
    %c0_i32 = arith.constant 0 : i32
    %c0_i32_1 = arith.constant 0 : i32
    return %add3A_0, %c0_i32 : i32, i32
  }
  func.func @transform_2(%arg0: i32) -> (i32, i32) {
    %add3A = arith.constant 16 : i32
    %add3A_0 = arith.addi %add3A, %arg0 : i32
    %c0_i32 = arith.constant 0 : i32
    %c0_i32_1 = arith.constant 0 : i32
    return %add3A_0, %c0_i32 : i32, i32
  }
  func.func @transform_3(%arg0: i32) -> (i32, i32) {
    %add3A = arith.constant 32 : i32
    %add3A_0 = arith.addi %add3A, %arg0 : i32
    %c0_i32 = arith.constant 0 : i32
    %c0_i32_1 = arith.constant 0 : i32
    return %add3A_0, %c0_i32 : i32, i32
  }
  func.func @transform_4(%arg0: i32) -> (i32, i32) {
    %add3A = arith.constant 48 : i32
    %add3A_0 = arith.addi %add3A, %arg0 : i32
    %c0_i32 = arith.constant 0 : i32
    %c0_i32_1 = arith.constant 0 : i32
    return %add3A_0, %c0_i32 : i32, i32
  }
  func.func @transform_5(%arg0: i32) -> (i32, i32) {
    %add3A = arith.constant 64 : i32
    %add3A_0 = arith.addi %add3A, %arg0 : i32
    %c0_i32 = arith.constant 0 : i32
    %c0_i32_1 = arith.constant 0 : i32
    return %add3A_0, %c0_i32 : i32, i32
  }
  func.func @transform_6(%arg0: i32) -> (i32, i32) {
    %add3A = arith.constant 80 : i32
    %add3A_0 = arith.addi %add3A, %arg0 : i32
    %c0_i32 = arith.constant 0 : i32
    %c0_i32_1 = arith.constant 0 : i32
    return %add3A_0, %c0_i32 : i32, i32
  }
  func.func @transform_7(%arg0: i32) -> (i32, i32) {
    %c0_i32 = arith.constant 0 : i32
    %c0_i32_0 = arith.constant 0 : i32
    %c0_i32_1 = arith.constant 0 : i32
    return %c0_i32, %c0_i32_0 : i32, i32
  }
  func.func @transform_8(%arg0: i32) -> (i32, i32) {
    %c0_i32 = arith.constant 0 : i32
    %c0_i32_0 = arith.constant 0 : i32
    %c0_i32_1 = arith.constant 0 : i32
    return %c0_i32, %c0_i32_0 : i32, i32
  }
  func.func @transform_9(%arg0: i32) -> (i32, i32) {
    %c0_i32 = arith.constant 0 : i32
    %c0_i32_0 = arith.constant 0 : i32
    %c0_i32_1 = arith.constant 0 : i32
    return %c0_i32, %c0_i32_0 : i32, i32
  }
  func.func @transform_10(%arg0: i32) -> (i32, i32) {
    %c0_i32 = arith.constant 0 : i32
    %c0_i32_0 = arith.constant 0 : i32
    %c0_i32_1 = arith.constant 0 : i32
    return %c0_i32, %c0_i32_0 : i32, i32
  }
  func.func @transform_11(%arg0: i32) -> (i32, i32) {
    %c0_i32 = arith.constant 0 : i32
    %c0_i32_0 = arith.constant 0 : i32
    %c0_i32_1 = arith.constant 0 : i32
    return %c0_i32, %c0_i32_0 : i32, i32
  }
  func.func @transform_12(%arg0: i32) -> (i32, i32) {
    %c0_i32 = arith.constant 0 : i32
    %c0_i32_0 = arith.constant 0 : i32
    %c0_i32_1 = arith.constant 0 : i32
    return %c0_i32, %c0_i32_0 : i32, i32
  }
  func.func @transform_13(%arg0: i32) -> (i32, i32) {
    %c0_i32 = arith.constant 0 : i32
    %c0_i32_0 = arith.constant 0 : i32
    %c0_i32_1 = arith.constant 0 : i32
    return %c0_i32, %c0_i32_0 : i32, i32
  }
}

</mosaic_0001>

<sc_bundles>
// kernel: kernel.5.cloned.1.call-start
scs
__scs_entry_jumppad:
0x0: {  	(pc) =	sbr.rel $0x88, $3  }
0x1: {  	(tag) =	ssettag $0x0;
	lr =	simm.s32 $0x1  }
0x2: {  	[smem:$0x3F94] =	sst lr;
	_ =	strace $0xD0000000  }
0x3: {  	_ = 	snop  }
0x4: {  	_ = 	snop  }
0x5: {  	_ = 	snop  }
0x6: {  	_ = 	snop  }
0x7: {  	_ = 	snop  }
__scs_overlays_trampoline_lowered:
0x8: {  	[smem:$0x3FA3] =	sst s0  }
0x9: {  	[smem:$0x3FA4] =	sst s1  }
0xa: {  	[smem:$0x3FA5] =	sst s2  }
0xb: {  	[smem:$0x3FA6] =	sst s3  }
0xc: {  	[smem:$0x3FA7] =	sst s4  }
0xd: {  	[smem:$0x3FA8] =	sst s5  }
0xe: {  	[smem:$0x3FA9] =	sst s6  }
0xf: {  	[smem:$0x3FAA] =	sst s7  }
0x10: {  	[smem:$0x3FAB] =	sst s8  }
0x11: {  	[smem:$0x3FAC] =	sst s9;
	s0 =	simm.s32 @!p0 $0x0  }
0x12: {  	s1 =	sld [smem:$0x3F92];
	s0 =	simm.s32 @p0 $0x1  }
0x13: {  	[smem:$0x3FAD] =	sst s0;
	s0 =	simm.s32 @!p1 $0x0  }
0x14: {  	s2 =	sld [smem:$0x3F91];
	s0 =	simm.s32 @p1 $0x1  }
0x15: {  	[smem:$0x3FAE] =	sst s0;
	s0 =	simm.s32 @!p2 $0x0  }
0x16: {  	s3 =	sld [smem:$0x3FDB];
	s0 =	simm.s32 @p2 $0x1  }
0x17: {  	s4 =	simm.s32 $0x1BF5;
	[smem:$0x3FB0] =	sst s0  }
0x18: {  	s0 =	sld [smem:$0x3F93];
	_ =	swait.ge [sflag:s4], $0x0  }
0x19: {  	s7 =	sld [smem:$0x3F94]  }
0x1a: {  	s8 =	sadd.s32 $0xFFFFE003, lr  }
0x1b: {  	s9 =	sadd.s32 $0xFFFFFEF7, lr;
	s5 =	simm.s32 $0xFFFFFFFF;
	p2 =	slt.u32 s8, $0xFFFFF086  }
0x1c: {  	p1 =	slt.u32 s9, $0xF7A;
	s5 =	simm.s32 @!p2 $0x0  }
0x1d: {  	s5 =	simm.s32 @p1 $0x1;
	p0 =	seq.s32 s7, s2  }
0x1e: {  	s7 =	smul.u32 @!p0 $0xF7A, s2;
	p2 =	seq.s32 @!p0 s5, $0x0  }
0x1f: {  	s9 =	smul.u32 $0xF7A, s1;
	s8 =	simm.s32 @!p0 $0x1BF5;
	p2 =	por !p2, p0  }
0x20: {  	[sflag:s8] =	ssyncset.s32 @!p0 $0xFFFFF086;
	s6 =	sadd.s32 @!p0 s3, s7;
	s7 =	simm.s32 @!p0 $0x108  }
0x21: {  	s3 =	sadd.s32 s3, s9;
	s6 =	sadd.s32 @!p0 $0x88, s6;
	s7 =	simm.s32 @p2 $0x1082  }
0x22: {  	[simem:s7], [sflag:s8] =	dma.local @!p0 [hbm:s6], $0xF7A  }
0x23: {  	s9 =	sor.u32 $0xD0000000, s2;
	s6 =	simm.s32 $0x108;
	_ =	swait.ge @!p0 [sflag:s8], $0x0  }
0x24: {  	s3 =	sadd.s32 $0x88, s3;
	s6 =	simm.s32 @!p1 $0x1082;
	[sflag:s4] =	ssyncset.s32 $0xFFFFF086  }
0x25: {  	[simem:s6], [sflag:s4] =	dma.local [hbm:s3], $0xF7A  }
0x26: {  	[smem:$0x3F94] =	sst s1;
	(tag) =	ssettag s2;
	_ =	strace s9  }
0x27: {  	s1 =	sld [smem:$0x3FA4]  }
0x28: {  	s2 =	sld [smem:$0x3FA5]  }
0x29: {  	s4 =	sld [smem:$0x3FA7]  }
0x2a: {  	p0 =	seq.s32 s5, $0x0;
	s5 =	sld [smem:$0x3FA8]  }
0x2b: {  	s6 =	sld [smem:$0x3FA9]  }
0x2c: {  	s7 =	sld [smem:$0x3FAA]  }
0x2d: {  	s3 =	simm.s32 $0x108;
	s8 =	sld [smem:$0x3FAB]  }
0x2e: {  	s3 =	simm.s32 @!p0 $0x1082;
	s9 =	sld [smem:$0x3FAC]  }
0x2f: {  	lr =	sadd.s32 s0, s3;
	s0 =	sld [smem:$0x3FA3]  }
0x30: {  	s3 =	sld [smem:$0x3FA6]  }
0x31: {  	[smem:$0x3FAF] =	sst s10  }
0x32: {  	s10 =	sld [smem:$0x3FAD];
	_ =	sdelay $0x3  }
0x33: {  	p0 =	seq.s32 s10, $0x1;
	s10 =	sld [smem:$0x3FAF];
	_ =	sdelay $0x3  }
0x34: {  	[smem:$0x3FAF] =	sst s10  }
0x35: {  	s10 =	sld [smem:$0x3FAE];
	_ =	sdelay $0x3  }
0x36: {  	p1 =	seq.s32 s10, $0x1;
	s10 =	sld [smem:$0x3FAF];
	_ =	sdelay $0x3  }
0x37: {  	[smem:$0x3FAF] =	sst s10  }
0x38: {  	s10 =	sld [smem:$0x3FB0]  }
0x39: {  	_ = 	snop;
	(pc) =	sbr.ind lr, $3  }
0x3a: {  	_ = 	snop  }
0x3b: {  	_ = 	snop  }
0x3c: {  	p2 =	seq.s32 s10, $0x1;
	s10 =	sld [smem:$0x3FAF]  }
0x3d: {  	_ =	shalt  }
0x3e: {  	_ =	shalt  }
0x3f: {  	_ =	shalt  }
0x40: {  	_ =	shalt  }
0x41: {  	_ =	shalt  }
0x42: {  	_ =	shalt  }
0x43: {  	_ =	shalt  }
0x44: {  	_ =	shalt  }
0x45: {  	_ =	shalt  }
0x46: {  	_ =	shalt  }
0x47: {  	_ =	shalt  }
0x48: {  	_ =	shalt  }
0x49: {  	_ =	shalt  }
0x4a: {  	_ =	shalt  }
0x4b: {  	_ =	shalt  }
0x4c: {  	_ =	shalt  }
0x4d: {  	_ =	shalt  }
0x4e: {  	_ =	shalt  }
0x4f: {  	_ =	shalt  }
0x50: {  	_ =	shalt  }
0x51: {  	_ =	shalt  }
0x52: {  	_ =	shalt  }
0x53: {  	_ =	shalt  }
0x54: {  	_ =	shalt  }
0x55: {  	_ =	shalt  }
0x56: {  	_ =	shalt  }
0x57: {  	_ =	shalt  }
0x58: {  	_ =	shalt  }
0x59: {  	_ =	shalt  }
0x5a: {  	_ =	shalt  }
0x5b: {  	_ =	shalt  }
0x5c: {  	_ =	shalt  }
0x5d: {  	_ =	shalt  }
0x5e: {  	_ =	shalt  }
0x5f: {  	_ =	shalt  }
0x60: {  	_ =	shalt  }
0x61: {  	_ =	shalt  }
0x62: {  	_ =	shalt  }
0x63: {  	_ =	shalt  }
0x64: {  	_ =	shalt  }
0x65: {  	_ =	shalt  }
0x66: {  	_ =	shalt  }
0x67: {  	_ =	shalt  }
0x68: {  	_ =	shalt  }
0x69: {  	_ =	shalt  }
0x6a: {  	_ =	shalt  }
0x6b: {  	_ =	shalt  }
0x6c: {  	_ =	shalt  }
0x6d: {  	_ =	shalt  }
0x6e: {  	_ =	shalt  }
0x6f: {  	_ =	shalt  }
0x70: {  	_ =	shalt  }
0x71: {  	_ =	shalt  }
0x72: {  	_ =	shalt  }
0x73: {  	_ =	shalt  }
0x74: {  	_ =	shalt  }
0x75: {  	_ =	shalt  }
0x76: {  	_ =	shalt  }
0x77: {  	_ =	shalt  }
0x78: {  	_ =	shalt  }
0x79: {  	_ =	shalt  }
0x7a: {  	_ =	shalt  }
0x7b: {  	_ =	shalt  }
0x7c: {  	_ =	shalt  }
0x7d: {  	_ =	shalt  }
0x7e: {  	_ =	shalt  }
0x7f: {  	_ =	shalt  }
0x80: {  	_ =	shalt  }
0x81: {  	_ =	shalt  }
0x82: {  	_ =	shalt  }
0x83: {  	_ =	shalt  }
0x84: {  	_ =	shalt  }
0x85: {  	_ =	shalt  }
0x86: {  	_ =	shalt  }
0x87: {  	_ =	shalt  }
.Lfunc_end0:
.L_simem_size_0:
called_computation_lowered:
.L_overlay_start_0:
0x88: {  	s2 =	sld [smem:$0x3FD9]  }
0x89: {  	s3 =	sld [smem:$0x3FFE];
	_ =	sdelay $0x1  }
0x8a: {  	s1 =	srdreg.scid  }
0x8b: {  	s0 =	sand.u32 $0x1, s1  }
0x8c: {  	s16 =	sshll.u32 s0, $0xA;
	s2 =	sadd.s32 s3, s2  }
0x8d: {  	s2 =	sadd.s32 s2, s16  }
0x8e: {  	[smem:$0x3FBB] =	sst s2  }
0x8f: {  	_ = 	snop  }
0x90: {  	(tm) =	ssettm $0x1  }
0x91: {  	s17 =	sld [smem:$0x3FFB];
	_ =	sdelay $0x3  }
0x92: {  	_ =	strace s17  }
0x93: {  	s2 =	sld [smem:$0x3FFC];
	_ =	sdelay $0x3  }
0x94: {  	_ =	strace s2  }
0x95: {  	s2 =	sld [smem:$0x3FFD];
	_ =	sdelay $0x3  }
0x96: {  	_ =	strace s2  }
0x97: {  	_ =	strace $0x8FFFFFFF  }
0x98: {  	s18 =	sld [smem:$0x3FDB];
	_ =	sdelay $0x1  }
0x99: {  	s19 =	simm.s32 $_scs_section_size  }
0x9a: {  	s4 =	simm.s32 $_size__tile_overlayer_lowered;
	s5 =	simm.s32 $_tile_overlayer_lowered  }
0x9b: {  	s22 =	simm.s32 $0x1BFF;
	s21 =	sshll.u32 s5, $0x1;
	s2 =	sadd.s32 s19, s18  }
0x9c: {  	s6 =	simm.s32 $0x0;
	s20 =	sshll.u32 s4, $0x1;
	s4 =	sadd.s32 s21, s2  }
0x9d: {  	[timem:s6], [sflag:s22] =	dma.local [hbm:s4], s20  }
0x9e: {  	_ =	swait.ge [sflag:s22], s20  }
0x9f: {  	s3 =	ssub.s32 $0x0, s20;
	[sflag:s22] =	ssyncset.done $0x0  }
0xa0: {  	[sflag:s22] =	ssyncadd.s32 s3;
	_ =	sdelay $0x1  }
0xa1: {  	s23 =	simm.s32 $0x1B8B  }
0xa2: {  	_ =	swait.ge [sflag:s23], $0x1  }
0xa3: {  	[sflag:s23] =	ssyncset.done $0x0  }
0xa4: {  	s25 =	simm.s32 $0x1B8E;
	s24 =	sld [smem:$0x3FFE];
	[sflag:s23] =	ssyncadd.s32 $0xFFFFFFFF  }
0xa5: {  	s26 =	simm.s32 $execute0_lowered;
	[smem:$0x3FD2] =	sst s25  }
0xa6: {  	s4 =	sshll.u32 s26, $0x1;
	_ =	strace $0x80000046;
	[dreg:$0x1] =	wrdreg $0xFFFFFFFF  }
0xa7: {  	s28 =	simm.s32 $_size_execute0_lowered;
	s2 =	sadd.s32 s2, s4;
	[dreg:$0x0] =	wrdreg $0x0  }
0xa8: {  	s4 =	sshll.u32 s28, $0x1;
	[dreg:$0x2] =	wrdreg s2  }
0xa9: {  	[dreg:$0x3] =	wrdreg s4  }
0xaa: {  	[dreg:$0x4] =	wrdreg $0xC0  }
0xab: {  	_ =	task [dreg:s6], $0x5FFFF  }
0xac: {  	[dreg:$0x1] =	wrdreg $0xFFFFFFFF  }
0xad: {  	[dreg:$0x0] =	wrdreg $0x60  }
0xae: {  	[dreg:$0x2] =	wrdreg s24  }
0xaf: {  	[dreg:$0x3] =	wrdreg $0x9  }
0xb0: {  	_ =	task.clear_ibuf [dreg:s6], $0x4FFFF;
	_ =	strace $0x90000046  }
0xb1: {  	s29 =	simm.s32 $0x9;
	_ =	strace $0x80000048  }
0xb2: {  	_ =	swait.ge [sflag:s29], $0x1  }
0xb3: {  	[sflag:s29] =	ssyncadd.s32 $0xFFFFFFFF  }
0xb4: {  	_ =	strace $0x90000048  }
0xb5: {  	_ =	sfence  }
0xb6: {  	s30 =	sld [smem:$0x0];
	_ =	sdelay $0x2  }
0xb7: {  	s31 =	sshll.u32 s1, $0xD;
	s1 =	sshrl.u32 s1, $0x2  }
0xb8: {  	s3 =	sand.u32 $0x4000, s31;
	s1 =	sadd.s32 s1, s30  }
0xb9: {  	s0 =	sor.u32 s3, s0;
	s1 =	sshll.u32 s1, $0x11  }
0xba: {  	s0 =	sor.u32 s1, s0  }
0xbb: {  	s0 =	sadd.s32 $0x8F2B, s0  }
0xbc: {  	[sflag:s0] =	ssyncadd.remote.s32 $0x1  }
0xbd: {  	_ =	sfence.sel $0xFFFF  }
0xbe: {  	[dreg:$0x0] =	wrdreg $0xFFFFFFFF;
	(pc) =	sbr.abs _section_cstart, $3  }
0xbf: {  	[dreg:$0x1] =	wrdreg $0xFFFFFFFF  }
0xc0: {  	_ =	task.clear_ibuf [dreg:s6], $0x2FFFF;
	_ =	strace $0x9FFFFFFF  }
0xc1: {  	(tm) =	ssettm $0x7FFFFFFF  }
tec
execute0_lowered:
.L_overlay_start_1:
0x0: {  	(tag) =	ssettag $0x1  }
0x1: {  	s0 =	srdreg.scid  }
0x2: {  	s1 =	stileid.u32;
	s3 =	rddreg [dreg:$0x0]  }
0x3: {  	s2 =	simm.s32 $0x0;
	s7 =	simm.s32 $0x3;
	s10 =	simm.s32 $0x6  }
0x4: {  	s13 =	simm.s32 $0x1400;
	s15 =	simm.s32 $0x1C00;
	s16 =	simm.s32 $0x2400  }
0x5: {  	s17 =	simm.s32 $0x2C00;
	s18 =	simm.s32 $0x3C00;
	s19 =	simm.s32 $0x4400  }
0x6: {  	s20 =	simm.s32 $0x4C00;
	s21 =	simm.s32 $0x5400;
	s28 =	simm.s32 $0x7C00  }
0x7: {  	s14 =	simm.s32 $0x8400;
	s29 =	simm.s32 $0x8C00;
	s30 =	simm.s32 $0x9400  }
0x8: {  	s31 =	simm.s32 $0xAC00;
	s0 =	sand.u32 $0x1, s0;
	s1 =	sshll.u32 s1, $0x1  }
0x9: {  	s8 =	simm.s32 $0xCC00;
	s9 =	simm.s32 $0x1;
	s1 =	sor.u32 s0, s1  }
0xa: {  	[smem:$0x7FF] =	sst s2;
	s4 =	smul.u32 $0x6000, s1;
	s5 =	sshll.u32 s1, $0x7  }
0xb: {  	s6 =	sadd.s32 $0x23200, s3;
	s1 =	smul.u32 $0x30000, s1;
	s5 =	sadd.s32 s5, s3  }
0xc: {  	_ =	strace $0x80000047;
	s0 =	ssub.s32 $0x2, s0;
	s5 =	sadd.s32 $0x22200, s5  }
0xd: {  	s4 =	sadd.s32 s6, s4;
	s1 =	sshrl.u32 s1, $0x3;
	[dreg:$0x2] =	wrdreg s5  }
0xe: {  	[dreg:$0x8] =	wrdreg s4;
	s22 =	sadd.s32 $0x1000, s4;
	s1 =	sadd.s32 s6, s1  }
0xf: {  	s25 =	sshrl.u32 s0, $0x1;
	[dreg:$0x3] =	wrdreg s22;
	s23 =	sadd.s32 $0x2000, s1  }
0x10: {  	s0 =	ssub.s32 s0, s25;
	s24 =	sadd.s32 $0x3000, s1;
	[dreg:$0x4] =	wrdreg s23  }
0x11: {  	s25 =	simm.s32 $0x6C00;
	s26 =	sadd.s32 $0x4000, s1;
	[dreg:$0x5] =	wrdreg s24  }
0x12: {  	v2 =	vlaneseq.u32;
	s4 =	sadd.s32 $0x2200, s3;
	s1 =	sadd.s32 $0x5000, s1;
	[dreg:$0x6] =	wrdreg s26  }
0x13: {  	vm0 =	vmmov $0xffff;
	v1 =	vshrl.u32 v2, $0x3;
	s5 =	smax.u32 s0, $0x1;
	s22 =	simm.s32 $0x5C00;
	[dreg:$0x7] =	wrdreg s1  }
0x14: {  	v0 =	vand.u32 $0x7, v2;
	v2 =	vor.u32 $0x8, v2;
	v1 =	vmul.u32 $0x8, v1;
	s24 =	simm.s32 $0x6400;
	s26 =	simm.s32 $0x7400;
	s23 =	simm.s32 $0xB400  }
.LBB2_1:
0x15: {  	s11 =	rddreg [dreg:$0x2];
	s3 =	simm.s32 $0x7  }
0x16: {  	[tilespmem:s2], [sflag:$0x7] =	stream.linear.gather [hbm4b:s11+s2], $0x300, $0x38;
	[tilespmem:$0x18400] =	vst v63  }
0x17: {  	_ =	swait.ge [sflag:s3], $0x300  }
0x18: {  	[sflag:s3] =	ssyncset.done $0x0  }
0x19: {  	[sflag:s3] =	ssyncadd.s32 $0xFFFFFD00  }
0x1a: {  	v3 =	vld [tilespmem:$0x0];
	_ =	sdelay $0x4  }
0x1b: {  	v4 =	vshll.u32 v3, $0x1  }
0x1c: {  	v3 =	vand.u32 $0x7, v3;
	v4 =	vand.u32 $0xFFFFFFF0, v4  }
0x1d: {  	v3 =	vor.u32 v3, v4  }
0x1e: {  	v4 =	vperm.xlane v3, v0;
	_ =	sdelay $0x1  }
0x1f: {  	v3 =	vperm.xlane v3, v2;
	v4 =	vadd.s32 v1, v4;
	_ =	sdelay $0x1  }
0x20: {  	v3 =	vadd.s32 v1, v3;
	_ =	sdelay $0x1  }
0x21: {  	s0 =	simm.s32 $0x400  }
0x22: {  	[tilespmem:s0], [sflag:$0x1] =	stream.indirect_vreg.gather [hbm4b:s4+s2], $0x80, v4, vm0, $0xb8;
	[tilespmem:$0x18400] =	vst v63  }
0x23: {  	s12 =	simm.s32 $0xC00  }
0x24: {  	[tilespmem:s12], [sflag:$0x1] =	stream.indirect_vreg.gather [hbm4b:s4+s2], $0x80, v3, vm0, $0xb8;
	[tilespmem:$0x18400] =	vst v63  }
0x25: {  	v3 =	vld [tilespmem:$0x10];
	_ =	sdelay $0x4  }
0x26: {  	v17 =	vshll.u32 v3, $0x1  }
0x27: {  	v3 =	vand.u32 $0x7, v3;
	v4 =	vand.u32 $0xFFFFFFF0, v17  }
0x28: {  	v3 =	vor.u32 v3, v4  }
0x29: {  	v4 =	vperm.xlane v3, v0;
	_ =	sdelay $0x1  }
0x2a: {  	v3 =	vperm.xlane v3, v2;
	v4 =	vadd.s32 v1, v4;
	_ =	sdelay $0x1  }
0x2b: {  	v3 =	vadd.s32 v1, v3;
	_ =	sdelay $0x2  }
0x2c: {  	[tilespmem:s13], [sflag:$0x1] =	stream.indirect_vreg.gather [hbm4b:s4+s2], $0x80, v4, vm0, $0xb8;
	[tilespmem:$0x18400] =	vst v63  }
0x2d: {  	_ = 	snop  }
0x2e: {  	[tilespmem:s15], [sflag:$0x1] =	stream.indirect_vreg.gather [hbm4b:s4+s2], $0x80, v3, vm0, $0xb8;
	[tilespmem:$0x18400] =	vst v63  }
0x2f: {  	v3 =	vld [tilespmem:$0x20];
	_ =	sdelay $0x4  }
0x30: {  	v18 =	vshll.u32 v3, $0x1  }
0x31: {  	v3 =	vand.u32 $0x7, v3;
	v4 =	vand.u32 $0xFFFFFFF0, v18  }
0x32: {  	v3 =	vor.u32 v3, v4  }
0x33: {  	v4 =	vperm.xlane v3, v0;
	_ =	sdelay $0x1  }
0x34: {  	v3 =	vperm.xlane v3, v2;
	v4 =	vadd.s32 v1, v4;
	_ =	sdelay $0x1  }
0x35: {  	v3 =	vadd.s32 v1, v3;
	_ =	sdelay $0x2  }
0x36: {  	[tilespmem:s16], [sflag:$0x1] =	stream.indirect_vreg.gather [hbm4b:s4+s2], $0x80, v4, vm0, $0xb8;
	[tilespmem:$0x18400] =	vst v63  }
0x37: {  	_ = 	snop  }
0x38: {  	[tilespmem:s17], [sflag:$0x1] =	stream.indirect_vreg.gather [hbm4b:s4+s2], $0x80, v3, vm0, $0xb8;
	[tilespmem:$0x18400] =	vst v63  }
0x39: {  	v3 =	vld [tilespmem:$0x30];
	_ =	sdelay $0x4  }
0x3a: {  	v19 =	vshll.u32 v3, $0x1  }
0x3b: {  	v3 =	vand.u32 $0x7, v3;
	v4 =	vand.u32 $0xFFFFFFF0, v19  }
0x3c: {  	v3 =	vor.u32 v3, v4  }
0x3d: {  	v4 =	vperm.xlane v3, v0;
	_ =	sdelay $0x1  }
0x3e: {  	v3 =	vperm.xlane v3, v2;
	v4 =	vadd.s32 v1, v4;
	_ =	sdelay $0x1  }
0x3f: {  	v3 =	vadd.s32 v1, v3;
	_ =	sdelay $0x1  }
0x40: {  	s3 =	simm.s32 $0x3400  }
0x41: {  	[tilespmem:s3], [sflag:$0x1] =	stream.indirect_vreg.gather [hbm4b:s4+s2], $0x80, v4, vm0, $0xb8;
	[tilespmem:$0x18400] =	vst v63  }
0x42: {  	_ = 	snop  }
0x43: {  	[tilespmem:s18], [sflag:$0x1] =	stream.indirect_vreg.gather [hbm4b:s4+s2], $0x80, v3, vm0, $0xb8;
	[tilespmem:$0x18400] =	vst v63  }
0x44: {  	v3 =	vld [tilespmem:$0x40];
	_ =	sdelay $0x4  }
0x45: {  	v20 =	vshll.u32 v3, $0x1  }
0x46: {  	v3 =	vand.u32 $0x7, v3;
	v4 =	vand.u32 $0xFFFFFFF0, v20  }
0x47: {  	v3 =	vor.u32 v3, v4  }
0x48: {  	v4 =	vperm.xlane v3, v0;
	_ =	sdelay $0x1  }
0x49: {  	v3 =	vperm.xlane v3, v2;
	v4 =	vadd.s32 v1, v4;
	_ =	sdelay $0x1  }
0x4a: {  	v3 =	vadd.s32 v1, v3;
	_ =	sdelay $0x2  }
0x4b: {  	[tilespmem:s19], [sflag:$0x1] =	stream.indirect_vreg.gather [hbm4b:s4+s2], $0x80, v4, vm0, $0xb8;
	[tilespmem:$0x18400] =	vst v63  }
0x4c: {  	_ = 	snop  }
0x4d: {  	[tilespmem:s20], [sflag:$0x1] =	stream.indirect_vreg.gather [hbm4b:s4+s2], $0x80, v3, vm0, $0xb8;
	[tilespmem:$0x18400] =	vst v63  }
0x4e: {  	v3 =	vld [tilespmem:$0x50];
	_ =	sdelay $0x4  }
0x4f: {  	v21 =	vshll.u32 v3, $0x1  }
0x50: {  	v3 =	vand.u32 $0x7, v3;
	v4 =	vand.u32 $0xFFFFFFF0, v21  }
0x51: {  	v3 =	vor.u32 v3, v4  }
0x52: {  	v4 =	vperm.xlane v3, v0;
	_ =	sdelay $0x1  }
0x53: {  	v3 =	vperm.xlane v3, v2;
	v4 =	vadd.s32 v1, v4;
	_ =	sdelay $0x1  }
0x54: {  	v3 =	vadd.s32 v1, v3;
	_ =	sdelay $0x2  }
0x55: {  	[tilespmem:s21], [sflag:$0x1] =	stream.indirect_vreg.gather [hbm4b:s4+s2], $0x80, v4, vm0, $0xb8;
	[tilespmem:$0x18400] =	vst v63  }
0x56: {  	_ = 	snop  }
0x57: {  	[tilespmem:s22], [sflag:$0x1] =	stream.indirect_vreg.gather [hbm4b:s4+s2], $0x80, v3, vm0, $0xb8;
	[tilespmem:$0x18400] =	vst v63  }
0x58: {  	v3 =	vld [tilespmem:$0x60];
	_ =	sdelay $0x4  }
0x59: {  	v22 =	vshll.u32 v3, $0x1  }
0x5a: {  	v3 =	vand.u32 $0x7, v3;
	v4 =	vand.u32 $0xFFFFFFF0, v22  }
0x5b: {  	v3 =	vor.u32 v3, v4  }
0x5c: {  	v4 =	vperm.xlane v3, v0;
	_ =	sdelay $0x1  }
0x5d: {  	v3 =	vperm.xlane v3, v2;
	v4 =	vadd.s32 v1, v4;
	_ =	sdelay $0x1  }
0x5e: {  	v3 =	vadd.s32 v1, v3;
	_ =	sdelay $0x2  }
0x5f: {  	[tilespmem:s24], [sflag:$0x1] =	stream.indirect_vreg.gather [hbm4b:s4+s2], $0x80, v4, vm0, $0xb8;
	[tilespmem:$0x18400] =	vst v63  }
0x60: {  	_ = 	snop  }
0x61: {  	[tilespmem:s25], [sflag:$0x1] =	stream.indirect_vreg.gather [hbm4b:s4+s2], $0x80, v3, vm0, $0xb8;
	[tilespmem:$0x18400] =	vst v63  }
0x62: {  	v3 =	vld [tilespmem:$0x70];
	_ =	sdelay $0x4  }
0x63: {  	v23 =	vshll.u32 v3, $0x1  }
0x64: {  	v3 =	vand.u32 $0x7, v3;
	v4 =	vand.u32 $0xFFFFFFF0, v23  }
0x65: {  	v3 =	vor.u32 v3, v4  }
0x66: {  	v4 =	vperm.xlane v3, v0;
	_ =	sdelay $0x1  }
0x67: {  	v3 =	vperm.xlane v3, v2;
	v4 =	vadd.s32 v1, v4;
	_ =	sdelay $0x1  }
0x68: {  	v3 =	vadd.s32 v1, v3;
	_ =	sdelay $0x2  }
0x69: {  	[tilespmem:s26], [sflag:$0x1] =	stream.indirect_vreg.gather [hbm4b:s4+s2], $0x80, v4, vm0, $0xb8;
	[tilespmem:$0x18400] =	vst v63  }
0x6a: {  	_ = 	snop  }
0x6b: {  	[tilespmem:s28], [sflag:$0x1] =	stream.indirect_vreg.gather [hbm4b:s4+s2], $0x80, v3, vm0, $0xb8;
	[tilespmem:$0x18400] =	vst v63  }
0x6c: {  	v3 =	vld [tilespmem:$0x80];
	_ =	sdelay $0x4  }
0x6d: {  	v24 =	vshll.u32 v3, $0x1  }
0x6e: {  	v3 =	vand.u32 $0x7, v3;
	v4 =	vand.u32 $0xFFFFFFF0, v24  }
0x6f: {  	v3 =	vor.u32 v3, v4  }
0x70: {  	v4 =	vperm.xlane v3, v0;
	_ =	sdelay $0x1  }
0x71: {  	v3 =	vperm.xlane v3, v2;
	v4 =	vadd.s32 v1, v4;
	_ =	sdelay $0x1  }
0x72: {  	v3 =	vadd.s32 v1, v3;
	_ =	sdelay $0x2  }
0x73: {  	[tilespmem:s14], [sflag:$0x2] =	stream.indirect_vreg.gather [hbm4b:s4+s2], $0x80, v4, vm0, $0xb8;
	[tilespmem:$0x18400] =	vst v63  }
0x74: {  	_ = 	snop  }
0x75: {  	[tilespmem:s29], [sflag:$0x2] =	stream.indirect_vreg.gather [hbm4b:s4+s2], $0x80, v3, vm0, $0xb8;
	[tilespmem:$0x18400] =	vst v63  }
0x76: {  	v3 =	vld [tilespmem:$0x90];
	_ =	sdelay $0x4  }
0x77: {  	v25 =	vshll.u32 v3, $0x1  }
0x78: {  	v3 =	vand.u32 $0x7, v3;
	v4 =	vand.u32 $0xFFFFFFF0, v25  }
0x79: {  	v3 =	vor.u32 v3, v4  }
0x7a: {  	v4 =	vperm.xlane v3, v0;
	_ =	sdelay $0x1  }
0x7b: {  	v3 =	vperm.xlane v3, v2;
	v4 =	vadd.s32 v1, v4;
	_ =	sdelay $0x1  }
0x7c: {  	v3 =	vadd.s32 v1, v3;
	_ =	sdelay $0x2  }
0x7d: {  	[tilespmem:s30], [sflag:$0x2] =	stream.indirect_vreg.gather [hbm4b:s4+s2], $0x80, v4, vm0, $0xb8;
	[tilespmem:$0x18400] =	vst v63  }
0x7e: {  	s1 =	simm.s32 $0x9C00  }
0x7f: {  	[tilespmem:s1], [sflag:$0x2] =	stream.indirect_vreg.gather [hbm4b:s4+s2], $0x80, v3, vm0, $0xb8;
	[tilespmem:$0x18400] =	vst v63  }
0x80: {  	v3 =	vld [tilespmem:$0xA0];
	_ =	sdelay $0x4  }
0x81: {  	v26 =	vshll.u32 v3, $0x1  }
0x82: {  	v3 =	vand.u32 $0x7, v3;
	v4 =	vand.u32 $0xFFFFFFF0, v26  }
0x83: {  	v3 =	vor.u32 v3, v4  }
0x84: {  	v4 =	vperm.xlane v3, v0;
	_ =	sdelay $0x1  }
0x85: {  	v3 =	vperm.xlane v3, v2;
	v4 =	vadd.s32 v1, v4;
	_ =	sdelay $0x1  }
0x86: {  	v3 =	vadd.s32 v1, v3;
	_ =	sdelay $0x1  }
0x87: {  	s6 =	simm.s32 $0xA400  }
0x88: {  	[tilespmem:s6], [sflag:$0x2] =	stream.indirect_vreg.gather [hbm4b:s4+s2], $0x80, v4, vm0, $0xb8;
	[tilespmem:$0x18400] =	vst v63  }
0x89: {  	_ = 	snop  }
0x8a: {  	[tilespmem:s31], [sflag:$0x2] =	stream.indirect_vreg.gather [hbm4b:s4+s2], $0x80, v3, vm0, $0xb8;
	[tilespmem:$0x18400] =	vst v63  }
0x8b: {  	v3 =	vld [tilespmem:$0xB0];
	_ =	sdelay $0x4  }
0x8c: {  	v27 =	vshll.u32 v3, $0x1  }
0x8d: {  	v3 =	vand.u32 $0x7, v3;
	v4 =	vand.u32 $0xFFFFFFF0, v27  }
0x8e: {  	v3 =	vor.u32 v3, v4  }
0x8f: {  	v4 =	vperm.xlane v3, v0;
	_ =	sdelay $0x1  }
0x90: {  	v3 =	vperm.xlane v3, v2;
	v4 =	vadd.s32 v1, v4;
	_ =	sdelay $0x1  }
0x91: {  	v3 =	vadd.s32 v1, v3;
	_ =	sdelay $0x2  }
0x92: {  	[tilespmem:s23], [sflag:$0x2] =	stream.indirect_vreg.gather [hbm4b:s4+s2], $0x80, v4, vm0, $0xb8;
	[tilespmem:$0x18400] =	vst v63  }
0x93: {  	s11 =	simm.s32 $0xBC00  }
0x94: {  	[tilespmem:s11], [sflag:$0x2] =	stream.indirect_vreg.gather [hbm4b:s4+s2], $0x80, v3, vm0, $0xb8;
	[tilespmem:$0x18400] =	vst v63  }
0x95: {  	v3 =	vld [tilespmem:$0xC0];
	_ =	sdelay $0x4  }
0x96: {  	v28 =	vshll.u32 v3, $0x1  }
0x97: {  	v3 =	vand.u32 $0x7, v3;
	v4 =	vand.u32 $0xFFFFFFF0, v28  }
0x98: {  	v3 =	vor.u32 v3, v4  }
0x99: {  	v4 =	vperm.xlane v3, v0;
	_ =	sdelay $0x1  }
0x9a: {  	v3 =	vperm.xlane v3, v2;
	v4 =	vadd.s32 v1, v4;
	_ =	sdelay $0x1  }
0x9b: {  	v3 =	vadd.s32 v1, v3;
	_ =	sdelay $0x1  }
0x9c: {  	s1 =	simm.s32 $0xC400  }
0x9d: {  	[tilespmem:s1], [sflag:$0x2] =	stream.indirect_vreg.gather [hbm4b:s4+s2], $0x80, v4, vm0, $0xb8;
	[tilespmem:$0x18400] =	vst v63  }
0x9e: {  	_ = 	snop  }
0x9f: {  	[tilespmem:s8], [sflag:$0x2] =	stream.indirect_vreg.gather [hbm4b:s4+s2], $0x80, v3, vm0, $0xb8;
	[tilespmem:$0x18400] =	vst v63  }
0xa0: {  	v3 =	vld [tilespmem:$0xD0];
	_ =	sdelay $0x4  }
0xa1: {  	v29 =	vshll.u32 v3, $0x1  }
0xa2: {  	v3 =	vand.u32 $0x7, v3;
	v4 =	vand.u32 $0xFFFFFFF0, v29  }
0xa3: {  	v3 =	vor.u32 v3, v4  }
0xa4: {  	v4 =	vperm.xlane v3, v0;
	_ =	sdelay $0x1  }
0xa5: {  	v3 =	vperm.xlane v3, v2;
	v4 =	vadd.s32 v1, v4;
	_ =	sdelay $0x1  }
0xa6: {  	v3 =	vadd.s32 v1, v3;
	_ =	sdelay $0x1  }
0xa7: {  	s6 =	simm.s32 $0xD400  }
0xa8: {  	[tilespmem:s6], [sflag:$0x2] =	stream.indirect_vreg.gather [hbm4b:s4+s2], $0x80, v4, vm0, $0xb8;
	[tilespmem:$0x18400] =	vst v63  }
0xa9: {  	s11 =	simm.s32 $0xDC00  }
0xaa: {  	[tilespmem:s11], [sflag:$0x2] =	stream.indirect_vreg.gather [hbm4b:s4+s2], $0x80, v3, vm0, $0xb8;
	[tilespmem:$0x18400] =	vst v63  }
0xab: {  	v3 =	vld [tilespmem:$0xE0];
	_ =	sdelay $0x4  }
0xac: {  	v30 =	vshll.u32 v3, $0x1  }
0xad: {  	v3 =	vand.u32 $0x7, v3;
	v4 =	vand.u32 $0xFFFFFFF0, v30  }
0xae: {  	v3 =	vor.u32 v3, v4  }
0xaf: {  	v4 =	vperm.xlane v3, v0;
	_ =	sdelay $0x1  }
0xb0: {  	v3 =	vperm.xlane v3, v2;
	v4 =	vadd.s32 v1, v4;
	_ =	sdelay $0x1  }
0xb1: {  	v3 =	vadd.s32 v1, v3;
	_ =	sdelay $0x1  }
0xb2: {  	s1 =	simm.s32 $0xE400  }
0xb3: {  	[tilespmem:s1], [sflag:$0x2] =	stream.indirect_vreg.gather [hbm4b:s4+s2], $0x80, v4, vm0, $0xb8;
	[tilespmem:$0x18400] =	vst v63  }
0xb4: {  	s6 =	simm.s32 $0xEC00  }
0xb5: {  	[tilespmem:s6], [sflag:$0x2] =	stream.indirect_vreg.gather [hbm4b:s4+s2], $0x80, v3, vm0, $0xb8;
	[tilespmem:$0x18400] =	vst v63  }
0xb6: {  	v3 =	vld [tilespmem:$0xF0];
	_ =	sdelay $0x4  }
0xb7: {  	v31 =	vshll.u32 v3, $0x1  }
0xb8: {  	v3 =	vand.u32 $0x7, v3;
	v4 =	vand.u32 $0xFFFFFFF0, v31  }
0xb9: {  	v3 =	vor.u32 v3, v4  }
0xba: {  	v4 =	vperm.xlane v3, v0;
	_ =	sdelay $0x1  }
0xbb: {  	v3 =	vperm.xlane v3, v2;
	v4 =	vadd.s32 v1, v4;
	_ =	sdelay $0x1  }
0xbc: {  	v3 =	vadd.s32 v1, v3;
	_ =	sdelay $0x1  }
0xbd: {  	s11 =	simm.s32 $0xF400  }
0xbe: {  	[tilespmem:s11], [sflag:$0x2] =	stream.indirect_vreg.gather [hbm4b:s4+s2], $0x80, v4, vm0, $0xb8;
	[tilespmem:$0x18400] =	vst v63  }
0xbf: {  	s1 =	simm.s32 $0xFC00  }
0xc0: {  	[tilespmem:s1], [sflag:$0x2] =	stream.indirect_vreg.gather [hbm4b:s4+s2], $0x80, v3, vm0, $0xb8;
	[tilespmem:$0x18400] =	vst v63  }
0xc1: {  	v3 =	vld [tilespmem:$0x100];
	_ =	sdelay $0x4  }
0xc2: {  	v32 =	vshll.u32 v3, $0x1  }
0xc3: {  	v3 =	vand.u32 $0x7, v3;
	v4 =	vand.u32 $0xFFFFFFF0, v32  }
0xc4: {  	v3 =	vor.u32 v3, v4  }
0xc5: {  	v4 =	vperm.xlane v3, v0;
	_ =	sdelay $0x1  }
0xc6: {  	v3 =	vperm.xlane v3, v2;
	v4 =	vadd.s32 v1, v4;
	_ =	sdelay $0x1  }
0xc7: {  	v3 =	vadd.s32 v1, v3;
	_ =	sdelay $0x1  }
0xc8: {  	s0 =	simm.s32 $0x10400  }
0xc9: {  	[tilespmem:s0], [sflag:$0x3] =	stream.indirect_vreg.gather [hbm4b:s4+s2], $0x80, v4, vm0, $0xb8;
	[tilespmem:$0x18400] =	vst v63  }
0xca: {  	s1 =	simm.s32 $0x10C00  }
0xcb: {  	[tilespmem:s1], [sflag:$0x3] =	stream.indirect_vreg.gather [hbm4b:s4+s2], $0x80, v3, vm0, $0xb8;
	[tilespmem:$0x18400] =	vst v63  }
0xcc: {  	v3 =	vld [tilespmem:$0x110];
	_ =	sdelay $0x4  }
0xcd: {  	v33 =	vshll.u32 v3, $0x1  }
0xce: {  	v3 =	vand.u32 $0x7, v3;
	v4 =	vand.u32 $0xFFFFFFF0, v33  }
0xcf: {  	v3 =	vor.u32 v3, v4  }
0xd0: {  	v4 =	vperm.xlane v3, v0;
	_ =	sdelay $0x1  }
0xd1: {  	v3 =	vperm.xlane v3, v2;
	v4 =	vadd.s32 v1, v4;
	_ =	sdelay $0x1  }
0xd2: {  	v3 =	vadd.s32 v1, v3;
	_ =	sdelay $0x1  }
0xd3: {  	s6 =	simm.s32 $0x11400  }
0xd4: {  	[tilespmem:s6], [sflag:$0x3] =	stream.indirect_vreg.gather [hbm4b:s4+s2], $0x80, v4, vm0, $0xb8;
	[tilespmem:$0x18400] =	vst v63  }
0xd5: {  	s11 =	simm.s32 $0x11C00  }
0xd6: {  	[tilespmem:s11], [sflag:$0x3] =	stream.indirect_vreg.gather [hbm4b:s4+s2], $0x80, v3, vm0, $0xb8;
	[tilespmem:$0x18400] =	vst v63  }
0xd7: {  	v3 =	vld [tilespmem:$0x120];
	_ =	sdelay $0x4  }
0xd8: {  	v34 =	vshll.u32 v3, $0x1  }
0xd9: {  	v3 =	vand.u32 $0x7, v3;
	v4 =	vand.u32 $0xFFFFFFF0, v34  }
0xda: {  	v3 =	vor.u32 v3, v4  }
0xdb: {  	v4 =	vperm.xlane v3, v0;
	_ =	sdelay $0x1  }
0xdc: {  	v3 =	vperm.xlane v3, v2;
	v4 =	vadd.s32 v1, v4;
	_ =	sdelay $0x1  }
0xdd: {  	v3 =	vadd.s32 v1, v3;
	_ =	sdelay $0x1  }
0xde: {  	s6 =	simm.s32 $0x12400  }
0xdf: {  	[tilespmem:s6], [sflag:$0x3] =	stream.indirect_vreg.gather [hbm4b:s4+s2], $0x80, v4, vm0, $0xb8;
	[tilespmem:$0x18400] =	vst v63  }
0xe0: {  	s11 =	simm.s32 $0x12C00  }
0xe1: {  	[tilespmem:s11], [sflag:$0x3] =	stream.indirect_vreg.gather [hbm4b:s4+s2], $0x80, v3, vm0, $0xb8;
	[tilespmem:$0x18400] =	vst v63  }
0xe2: {  	v3 =	vld [tilespmem:$0x130];
	_ =	sdelay $0x4  }
0xe3: {  	v35 =	vshll.u32 v3, $0x1  }
0xe4: {  	v3 =	vand.u32 $0x7, v3;
	v4 =	vand.u32 $0xFFFFFFF0, v35  }
0xe5: {  	v3 =	vor.u32 v3, v4  }
0xe6: {  	v4 =	vperm.xlane v3, v0;
	_ =	sdelay $0x1  }
0xe7: {  	v3 =	vperm.xlane v3, v2;
	v4 =	vadd.s32 v1, v4;
	_ =	sdelay $0x1  }
0xe8: {  	v3 =	vadd.s32 v1, v3;
	_ =	sdelay $0x1  }
0xe9: {  	s6 =	simm.s32 $0x13400  }
0xea: {  	[tilespmem:s6], [sflag:$0x3] =	stream.indirect_vreg.gather [hbm4b:s4+s2], $0x80, v4, vm0, $0xb8;
	[tilespmem:$0x18400] =	vst v63  }
0xeb: {  	s11 =	simm.s32 $0x13C00  }
0xec: {  	[tilespmem:s11], [sflag:$0x3] =	stream.indirect_vreg.gather [hbm4b:s4+s2], $0x80, v3, vm0, $0xb8;
	[tilespmem:$0x18400] =	vst v63  }
0xed: {  	v3 =	vld [tilespmem:$0x140];
	_ =	sdelay $0x4  }
0xee: {  	v36 =	vshll.u32 v3, $0x1  }
0xef: {  	v3 =	vand.u32 $0x7, v3;
	v4 =	vand.u32 $0xFFFFFFF0, v36  }
0xf0: {  	v3 =	vor.u32 v3, v4  }
0xf1: {  	v4 =	vperm.xlane v3, v0;
	_ =	sdelay $0x1  }
0xf2: {  	v3 =	vperm.xlane v3, v2;
	v4 =	vadd.s32 v1, v4;
	_ =	sdelay $0x1  }
0xf3: {  	v3 =	vadd.s32 v1, v3;
	_ =	sdelay $0x1  }
0xf4: {  	s6 =	simm.s32 $0x14400  }
0xf5: {  	[tilespmem:s6], [sflag:$0x3] =	stream.indirect_vreg.gather [hbm4b:s4+s2], $0x80, v4, vm0, $0xb8;
	[tilespmem:$0x18400] =	vst v63  }
0xf6: {  	s11 =	simm.s32 $0x14C00  }
0xf7: {  	[tilespmem:s11], [sflag:$0x3] =	stream.indirect_vreg.gather [hbm4b:s4+s2], $0x80, v3, vm0, $0xb8;
	[tilespmem:$0x18400] =	vst v63  }
0xf8: {  	v3 =	vld [tilespmem:$0x150];
	_ =	sdelay $0x4  }
0xf9: {  	v37 =	vshll.u32 v3, $0x1  }
0xfa: {  	v3 =	vand.u32 $0x7, v3;
	v4 =	vand.u32 $0xFFFFFFF0, v37  }
0xfb: {  	v3 =	vor.u32 v3, v4  }
0xfc: {  	v4 =	vperm.xlane v3, v0;
	_ =	sdelay $0x1  }
0xfd: {  	v3 =	vperm.xlane v3, v2;
	v4 =	vadd.s32 v1, v4;
	_ =	sdelay $0x1  }
0xfe: {  	v3 =	vadd.s32 v1, v3;
	_ =	sdelay $0x1  }
0xff: {  	s6 =	simm.s32 $0x15400  }
0x100: {  	[tilespmem:s6], [sflag:$0x3] =	stream.indirect_vreg.gather [hbm4b:s4+s2], $0x80, v4, vm0, $0xb8;
	[tilespmem:$0x18400] =	vst v63  }
0x101: {  	s11 =	simm.s32 $0x15C00  }
0x102: {  	[tilespmem:s11], [sflag:$0x3] =	stream.indirect_vreg.gather [hbm4b:s4+s2], $0x80, v3, vm0, $0xb8;
	[tilespmem:$0x18400] =	vst v63  }
0x103: {  	v3 =	vld [tilespmem:$0x160];
	_ =	sdelay $0x4  }
0x104: {  	v38 =	vshll.u32 v3, $0x1  }
0x105: {  	v3 =	vand.u32 $0x7, v3;
	v4 =	vand.u32 $0xFFFFFFF0, v38  }
0x106: {  	v3 =	vor.u32 v3, v4  }
0x107: {  	v4 =	vperm.xlane v3, v0;
	_ =	sdelay $0x1  }
0x108: {  	v3 =	vperm.xlane v3, v2;
	v4 =	vadd.s32 v1, v4;
	_ =	sdelay $0x1  }
0x109: {  	v3 =	vadd.s32 v1, v3;
	_ =	sdelay $0x1  }
0x10a: {  	s6 =	simm.s32 $0x16400  }
0x10b: {  	[tilespmem:s6], [sflag:$0x3] =	stream.indirect_vreg.gather [hbm4b:s4+s2], $0x80, v4, vm0, $0xb8;
	[tilespmem:$0x18400] =	vst v63  }
0x10c: {  	s11 =	simm.s32 $0x16C00  }
0x10d: {  	[tilespmem:s11], [sflag:$0x3] =	stream.indirect_vreg.gather [hbm4b:s4+s2], $0x80, v3, vm0, $0xb8;
	[tilespmem:$0x18400] =	vst v63  }
0x10e: {  	v3 =	vld [tilespmem:$0x170];
	_ =	sdelay $0x4  }
0x10f: {  	v39 =	vshll.u32 v3, $0x1  }
0x110: {  	v3 =	vand.u32 $0x7, v3;
	v4 =	vand.u32 $0xFFFFFFF0, v39  }
0x111: {  	v3 =	vor.u32 v3, v4  }
0x112: {  	v4 =	vperm.xlane v3, v0;
	_ =	sdelay $0x1  }
0x113: {  	v3 =	vperm.xlane v3, v2;
	v4 =	vadd.s32 v1, v4;
	_ =	sdelay $0x1  }
0x114: {  	v3 =	vadd.s32 v1, v3;
	_ =	sdelay $0x1  }
0x115: {  	s6 =	simm.s32 $0x17400  }
0x116: {  	[tilespmem:s6], [sflag:$0x3] =	stream.indirect_vreg.gather [hbm4b:s4+s2], $0x80, v4, vm0, $0xb8;
	[tilespmem:$0x18400] =	vst v63  }
0x117: {  	s11 =	simm.s32 $0x17C00  }
0x118: {  	[tilespmem:s11], [sflag:$0x3] =	stream.indirect_vreg.gather [hbm4b:s4+s2], $0x80, v3, vm0, $0xb8;
	[tilespmem:$0x18400] =	vst v63  }
0x119: {  	_ =	swait.ge [sflag:s9], $0x8000  }
0x11a: {  	[sflag:s9] =	ssyncset.done $0x0  }
0x11b: {  	s6 =	simm.s32 $0x400;
	s1 =	rddreg [dreg:$0x8];
	[sflag:s9] =	ssyncadd.s32 $0xFFFF8000  }
0x11c: {  	[hbm4b:s1+s2] =	stream.linear.scatter [tilespmem:s6], [sflag:$0x4], $0x8000, $0x38;
	[tilespmem:$0x18400] =	vst v63  }
0x11d: {  	s1 =	simm.s32 $0x4  }
0x11e: {  	_ =	swait.ge [sflag:s1], $0x8000  }
0x11f: {  	[sflag:s1] =	ssyncset.done $0x0  }
0x120: {  	[sflag:s1] =	ssyncadd.s32 $0xFFFF8000  }
0x121: {  	v3 =	vld [tilespmem:$0x180];
	_ =	sdelay $0x4  }
0x122: {  	v40 =	vshll.u32 v3, $0x1  }
0x123: {  	v3 =	vand.u32 $0x7, v3;
	v4 =	vand.u32 $0xFFFFFFF0, v40  }
0x124: {  	v3 =	vor.u32 v3, v4  }
0x125: {  	v4 =	vperm.xlane v3, v0;
	_ =	sdelay $0x1  }
0x126: {  	v3 =	vperm.xlane v3, v2;
	v4 =	vadd.s32 v1, v4;
	_ =	sdelay $0x1  }
0x127: {  	v3 =	vadd.s32 v1, v3;
	_ =	sdelay $0x2  }
0x128: {  	[tilespmem:s6], [sflag:$0x1] =	stream.indirect_vreg.gather [hbm4b:s4+s2], $0x80, v4, vm0, $0xb8;
	[tilespmem:$0x18400] =	vst v63  }
0x129: {  	_ = 	snop  }
0x12a: {  	[tilespmem:s12], [sflag:$0x1] =	stream.indirect_vreg.gather [hbm4b:s4+s2], $0x80, v3, vm0, $0xb8;
	[tilespmem:$0x18400] =	vst v63  }
0x12b: {  	v3 =	vld [tilespmem:$0x190];
	_ =	sdelay $0x4  }
0x12c: {  	v41 =	vshll.u32 v3, $0x1  }
0x12d: {  	v3 =	vand.u32 $0x7, v3;
	v4 =	vand.u32 $0xFFFFFFF0, v41  }
0x12e: {  	v3 =	vor.u32 v3, v4  }
0x12f: {  	v4 =	vperm.xlane v3, v0;
	_ =	sdelay $0x1  }
0x130: {  	v3 =	vperm.xlane v3, v2;
	v4 =	vadd.s32 v1, v4;
	_ =	sdelay $0x1  }
0x131: {  	v3 =	vadd.s32 v1, v3;
	_ =	sdelay $0x2  }
0x132: {  	[tilespmem:s13], [sflag:$0x1] =	stream.indirect_vreg.gather [hbm4b:s4+s2], $0x80, v4, vm0, $0xb8;
	[tilespmem:$0x18400] =	vst v63  }
0x133: {  	_ = 	snop  }
0x134: {  	[tilespmem:s15], [sflag:$0x1] =	stream.indirect_vreg.gather [hbm4b:s4+s2], $0x80, v3, vm0, $0xb8;
	[tilespmem:$0x18400] =	vst v63  }
0x135: {  	v3 =	vld [tilespmem:$0x1A0];
	_ =	sdelay $0x4  }
0x136: {  	v42 =	vshll.u32 v3, $0x1  }
0x137: {  	v3 =	vand.u32 $0x7, v3;
	v4 =	vand.u32 $0xFFFFFFF0, v42  }
0x138: {  	v3 =	vor.u32 v3, v4  }
0x139: {  	v4 =	vperm.xlane v3, v0;
	_ =	sdelay $0x1  }
0x13a: {  	v3 =	vperm.xlane v3, v2;
	v4 =	vadd.s32 v1, v4;
	_ =	sdelay $0x1  }
0x13b: {  	v3 =	vadd.s32 v1, v3;
	_ =	sdelay $0x2  }
0x13c: {  	[tilespmem:s16], [sflag:$0x1] =	stream.indirect_vreg.gather [hbm4b:s4+s2], $0x80, v4, vm0, $0xb8;
	[tilespmem:$0x18400] =	vst v63  }
0x13d: {  	_ = 	snop  }
0x13e: {  	[tilespmem:s17], [sflag:$0x1] =	stream.indirect_vreg.gather [hbm4b:s4+s2], $0x80, v3, vm0, $0xb8;
	[tilespmem:$0x18400] =	vst v63  }
0x13f: {  	v3 =	vld [tilespmem:$0x1B0];
	_ =	sdelay $0x4  }
0x140: {  	v43 =	vshll.u32 v3, $0x1  }
0x141: {  	v3 =	vand.u32 $0x7, v3;
	v4 =	vand.u32 $0xFFFFFFF0, v43  }
0x142: {  	v3 =	vor.u32 v3, v4  }
0x143: {  	v4 =	vperm.xlane v3, v0;
	_ =	sdelay $0x1  }
0x144: {  	v3 =	vperm.xlane v3, v2;
	v4 =	vadd.s32 v1, v4;
	_ =	sdelay $0x1  }
0x145: {  	v3 =	vadd.s32 v1, v3;
	_ =	sdelay $0x2  }
0x146: {  	[tilespmem:s3], [sflag:$0x1] =	stream.indirect_vreg.gather [hbm4b:s4+s2], $0x80, v4, vm0, $0xb8;
	[tilespmem:$0x18400] =	vst v63  }
0x147: {  	_ = 	snop  }
0x148: {  	[tilespmem:s18], [sflag:$0x1] =	stream.indirect_vreg.gather [hbm4b:s4+s2], $0x80, v3, vm0, $0xb8;
	[tilespmem:$0x18400] =	vst v63  }
0x149: {  	v3 =	vld [tilespmem:$0x1C0];
	_ =	sdelay $0x4  }
0x14a: {  	v44 =	vshll.u32 v3, $0x1  }
0x14b: {  	v3 =	vand.u32 $0x7, v3;
	v4 =	vand.u32 $0xFFFFFFF0, v44  }
0x14c: {  	v3 =	vor.u32 v3, v4  }
0x14d: {  	v4 =	vperm.xlane v3, v0;
	_ =	sdelay $0x1  }
0x14e: {  	v3 =	vperm.xlane v3, v2;
	v4 =	vadd.s32 v1, v4;
	_ =	sdelay $0x1  }
0x14f: {  	v3 =	vadd.s32 v1, v3;
	_ =	sdelay $0x2  }
0x150: {  	[tilespmem:s19], [sflag:$0x1] =	stream.indirect_vreg.gather [hbm4b:s4+s2], $0x80, v4, vm0, $0xb8;
	[tilespmem:$0x18400] =	vst v63  }
0x151: {  	_ = 	snop  }
0x152: {  	[tilespmem:s20], [sflag:$0x1] =	stream.indirect_vreg.gather [hbm4b:s4+s2], $0x80, v3, vm0, $0xb8;
	[tilespmem:$0x18400] =	vst v63  }
0x153: {  	v3 =	vld [tilespmem:$0x1D0];
	_ =	sdelay $0x4  }
0x154: {  	v45 =	vshll.u32 v3, $0x1  }
0x155: {  	v3 =	vand.u32 $0x7, v3;
	v4 =	vand.u32 $0xFFFFFFF0, v45  }
0x156: {  	v3 =	vor.u32 v3, v4  }
0x157: {  	v4 =	vperm.xlane v3, v0;
	_ =	sdelay $0x1  }
0x158: {  	v3 =	vperm.xlane v3, v2;
	v4 =	vadd.s32 v1, v4;
	_ =	sdelay $0x1  }
0x159: {  	v3 =	vadd.s32 v1, v3;
	_ =	sdelay $0x2  }
0x15a: {  	[tilespmem:s21], [sflag:$0x1] =	stream.indirect_vreg.gather [hbm4b:s4+s2], $0x80, v4, vm0, $0xb8;
	[tilespmem:$0x18400] =	vst v63  }
0x15b: {  	_ = 	snop  }
0x15c: {  	[tilespmem:s22], [sflag:$0x1] =	stream.indirect_vreg.gather [hbm4b:s4+s2], $0x80, v3, vm0, $0xb8;
	[tilespmem:$0x18400] =	vst v63  }
0x15d: {  	v3 =	vld [tilespmem:$0x1E0];
	_ =	sdelay $0x4  }
0x15e: {  	v46 =	vshll.u32 v3, $0x1  }
0x15f: {  	v3 =	vand.u32 $0x7, v3;
	v4 =	vand.u32 $0xFFFFFFF0, v46  }
0x160: {  	v3 =	vor.u32 v3, v4  }
0x161: {  	v4 =	vperm.xlane v3, v0;
	_ =	sdelay $0x1  }
0x162: {  	v3 =	vperm.xlane v3, v2;
	v4 =	vadd.s32 v1, v4;
	_ =	sdelay $0x1  }
0x163: {  	v3 =	vadd.s32 v1, v3;
	_ =	sdelay $0x2  }
0x164: {  	[tilespmem:s24], [sflag:$0x1] =	stream.indirect_vreg.gather [hbm4b:s4+s2], $0x80, v4, vm0, $0xb8;
	[tilespmem:$0x18400] =	vst v63  }
0x165: {  	_ = 	snop  }
0x166: {  	[tilespmem:s25], [sflag:$0x1] =	stream.indirect_vreg.gather [hbm4b:s4+s2], $0x80, v3, vm0, $0xb8;
	[tilespmem:$0x18400] =	vst v63  }
0x167: {  	v3 =	vld [tilespmem:$0x1F0];
	_ =	sdelay $0x4  }
0x168: {  	v47 =	vshll.u32 v3, $0x1  }
0x169: {  	v3 =	vand.u32 $0x7, v3;
	v4 =	vand.u32 $0xFFFFFFF0, v47  }
0x16a: {  	v3 =	vor.u32 v3, v4  }
0x16b: {  	v4 =	vperm.xlane v3, v0;
	_ =	sdelay $0x1  }
0x16c: {  	v3 =	vperm.xlane v3, v2;
	v4 =	vadd.s32 v1, v4;
	_ =	sdelay $0x1  }
0x16d: {  	v3 =	vadd.s32 v1, v3;
	_ =	sdelay $0x2  }
0x16e: {  	[tilespmem:s26], [sflag:$0x1] =	stream.indirect_vreg.gather [hbm4b:s4+s2], $0x80, v4, vm0, $0xb8;
	[tilespmem:$0x18400] =	vst v63  }
0x16f: {  	s3 =	simm.s32 $0x2  }
0x170: {  	[tilespmem:s28], [sflag:$0x1] =	stream.indirect_vreg.gather [hbm4b:s4+s2], $0x80, v3, vm0, $0xb8;
	[tilespmem:$0x18400] =	vst v63  }
0x171: {  	_ =	swait.ge [sflag:s3], $0x8000  }
0x172: {  	[sflag:s3] =	ssyncset.done $0x0  }
0x173: {  	s12 =	simm.s32 $0x5;
	s6 =	rddreg [dreg:$0x3];
	[sflag:s3] =	ssyncadd.s32 $0xFFFF8000  }
0x174: {  	[hbm4b:s6+s2] =	stream.linear.scatter [tilespmem:s14], [sflag:$0x5], $0x8000, $0x38;
	[tilespmem:$0x18400] =	vst v63  }
0x175: {  	_ =	swait.ge [sflag:s12], $0x8000  }
0x176: {  	[sflag:s12] =	ssyncset.done $0x0  }
0x177: {  	[sflag:s12] =	ssyncadd.s32 $0xFFFF8000  }
0x178: {  	v3 =	vld [tilespmem:$0x200];
	_ =	sdelay $0x4  }
0x179: {  	v48 =	vshll.u32 v3, $0x1  }
0x17a: {  	v3 =	vand.u32 $0x7, v3;
	v4 =	vand.u32 $0xFFFFFFF0, v48  }
0x17b: {  	v3 =	vor.u32 v3, v4  }
0x17c: {  	v4 =	vperm.xlane v3, v0;
	_ =	sdelay $0x1  }
0x17d: {  	v3 =	vperm.xlane v3, v2;
	v4 =	vadd.s32 v1, v4;
	_ =	sdelay $0x1  }
0x17e: {  	v3 =	vadd.s32 v1, v3;
	_ =	sdelay $0x2  }
0x17f: {  	[tilespmem:s14], [sflag:$0x2] =	stream.indirect_vreg.gather [hbm4b:s4+s2], $0x80, v4, vm0, $0xb8;
	[tilespmem:$0x18400] =	vst v63  }
0x180: {  	_ = 	snop  }
0x181: {  	[tilespmem:s29], [sflag:$0x2] =	stream.indirect_vreg.gather [hbm4b:s4+s2], $0x80, v3, vm0, $0xb8;
	[tilespmem:$0x18400] =	vst v63  }
0x182: {  	v3 =	vld [tilespmem:$0x210];
	_ =	sdelay $0x4  }
0x183: {  	v49 =	vshll.u32 v3, $0x1  }
0x184: {  	v3 =	vand.u32 $0x7, v3;
	v4 =	vand.u32 $0xFFFFFFF0, v49  }
0x185: {  	v3 =	vor.u32 v3, v4  }
0x186: {  	v4 =	vperm.xlane v3, v0;
	_ =	sdelay $0x1  }
0x187: {  	v3 =	vperm.xlane v3, v2;
	v4 =	vadd.s32 v1, v4;
	_ =	sdelay $0x1  }
0x188: {  	v3 =	vadd.s32 v1, v3;
	_ =	sdelay $0x2  }
0x189: {  	[tilespmem:s30], [sflag:$0x2] =	stream.indirect_vreg.gather [hbm4b:s4+s2], $0x80, v4, vm0, $0xb8;
	[tilespmem:$0x18400] =	vst v63  }
0x18a: {  	s11 =	simm.s32 $0x9C00  }
0x18b: {  	[tilespmem:s11], [sflag:$0x2] =	stream.indirect_vreg.gather [hbm4b:s4+s2], $0x80, v3, vm0, $0xb8;
	[tilespmem:$0x18400] =	vst v63  }
0x18c: {  	v3 =	vld [tilespmem:$0x220];
	_ =	sdelay $0x4  }
0x18d: {  	v50 =	vshll.u32 v3, $0x1  }
0x18e: {  	v3 =	vand.u32 $0x7, v3;
	v4 =	vand.u32 $0xFFFFFFF0, v50  }
0x18f: {  	v3 =	vor.u32 v3, v4  }
0x190: {  	v4 =	vperm.xlane v3, v0;
	_ =	sdelay $0x1  }
0x191: {  	v3 =	vperm.xlane v3, v2;
	v4 =	vadd.s32 v1, v4;
	_ =	sdelay $0x1  }
0x192: {  	v3 =	vadd.s32 v1, v3;
	_ =	sdelay $0x1  }
0x193: {  	s11 =	simm.s32 $0xA400  }
0x194: {  	[tilespmem:s11], [sflag:$0x2] =	stream.indirect_vreg.gather [hbm4b:s4+s2], $0x80, v4, vm0, $0xb8;
	[tilespmem:$0x18400] =	vst v63  }
0x195: {  	_ = 	snop  }
0x196: {  	[tilespmem:s31], [sflag:$0x2] =	stream.indirect_vreg.gather [hbm4b:s4+s2], $0x80, v3, vm0, $0xb8;
	[tilespmem:$0x18400] =	vst v63  }
0x197: {  	v3 =	vld [tilespmem:$0x230];
	_ =	sdelay $0x4  }
0x198: {  	v51 =	vshll.u32 v3, $0x1  }
0x199: {  	v3 =	vand.u32 $0x7, v3;
	v4 =	vand.u32 $0xFFFFFFF0, v51  }
0x19a: {  	v3 =	vor.u32 v3, v4  }
0x19b: {  	v4 =	vperm.xlane v3, v0;
	_ =	sdelay $0x1  }
0x19c: {  	v3 =	vperm.xlane v3, v2;
	v4 =	vadd.s32 v1, v4;
	_ =	sdelay $0x1  }
0x19d: {  	v3 =	vadd.s32 v1, v3;
	_ =	sdelay $0x2  }
0x19e: {  	[tilespmem:s23], [sflag:$0x2] =	stream.indirect_vreg.gather [hbm4b:s4+s2], $0x80, v4, vm0, $0xb8;
	[tilespmem:$0x18400] =	vst v63  }
0x19f: {  	s11 =	simm.s32 $0xBC00  }
0x1a0: {  	[tilespmem:s11], [sflag:$0x2] =	stream.indirect_vreg.gather [hbm4b:s4+s2], $0x80, v3, vm0, $0xb8;
	[tilespmem:$0x18400] =	vst v63  }
0x1a1: {  	v3 =	vld [tilespmem:$0x240];
	_ =	sdelay $0x4  }
0x1a2: {  	v52 =	vshll.u32 v3, $0x1  }
0x1a3: {  	v3 =	vand.u32 $0x7, v3;
	v4 =	vand.u32 $0xFFFFFFF0, v52  }
0x1a4: {  	v3 =	vor.u32 v3, v4  }
0x1a5: {  	v4 =	vperm.xlane v3, v0;
	_ =	sdelay $0x1  }
0x1a6: {  	v3 =	vperm.xlane v3, v2;
	v4 =	vadd.s32 v1, v4;
	_ =	sdelay $0x1  }
0x1a7: {  	v3 =	vadd.s32 v1, v3;
	_ =	sdelay $0x1  }
0x1a8: {  	s11 =	simm.s32 $0xC400  }
0x1a9: {  	[tilespmem:s11], [sflag:$0x2] =	stream.indirect_vreg.gather [hbm4b:s4+s2], $0x80, v4, vm0, $0xb8;
	[tilespmem:$0x18400] =	vst v63  }
0x1aa: {  	_ = 	snop  }
0x1ab: {  	[tilespmem:s8], [sflag:$0x2] =	stream.indirect_vreg.gather [hbm4b:s4+s2], $0x80, v3, vm0, $0xb8;
	[tilespmem:$0x18400] =	vst v63  }
0x1ac: {  	v3 =	vld [tilespmem:$0x250];
	_ =	sdelay $0x4  }
0x1ad: {  	v53 =	vshll.u32 v3, $0x1  }
0x1ae: {  	v3 =	vand.u32 $0x7, v3;
	v4 =	vand.u32 $0xFFFFFFF0, v53  }
0x1af: {  	v3 =	vor.u32 v3, v4  }
0x1b0: {  	v4 =	vperm.xlane v3, v0;
	_ =	sdelay $0x1  }
0x1b1: {  	v3 =	vperm.xlane v3, v2;
	v4 =	vadd.s32 v1, v4;
	_ =	sdelay $0x1  }
0x1b2: {  	v3 =	vadd.s32 v1, v3;
	_ =	sdelay $0x1  }
0x1b3: {  	s11 =	simm.s32 $0xD400  }
0x1b4: {  	[tilespmem:s11], [sflag:$0x2] =	stream.indirect_vreg.gather [hbm4b:s4+s2], $0x80, v4, vm0, $0xb8;
	[tilespmem:$0x18400] =	vst v63  }
0x1b5: {  	s11 =	simm.s32 $0xDC00  }
0x1b6: {  	[tilespmem:s11], [sflag:$0x2] =	stream.indirect_vreg.gather [hbm4b:s4+s2], $0x80, v3, vm0, $0xb8;
	[tilespmem:$0x18400] =	vst v63  }
0x1b7: {  	v3 =	vld [tilespmem:$0x260];
	_ =	sdelay $0x4  }
0x1b8: {  	v54 =	vshll.u32 v3, $0x1  }
0x1b9: {  	v3 =	vand.u32 $0x7, v3;
	v4 =	vand.u32 $0xFFFFFFF0, v54  }
0x1ba: {  	v3 =	vor.u32 v3, v4  }
0x1bb: {  	v4 =	vperm.xlane v3, v0;
	_ =	sdelay $0x1  }
0x1bc: {  	v3 =	vperm.xlane v3, v2;
	v4 =	vadd.s32 v1, v4;
	_ =	sdelay $0x1  }
0x1bd: {  	v3 =	vadd.s32 v1, v3;
	_ =	sdelay $0x1  }
0x1be: {  	s11 =	simm.s32 $0xE400  }
0x1bf: {  	[tilespmem:s11], [sflag:$0x2] =	stream.indirect_vreg.gather [hbm4b:s4+s2], $0x80, v4, vm0, $0xb8;
	[tilespmem:$0x18400] =	vst v63  }
0x1c0: {  	s11 =	simm.s32 $0xEC00  }
0x1c1: {  	[tilespmem:s11], [sflag:$0x2] =	stream.indirect_vreg.gather [hbm4b:s4+s2], $0x80, v3, vm0, $0xb8;
	[tilespmem:$0x18400] =	vst v63  }
0x1c2: {  	v3 =	vld [tilespmem:$0x270];
	_ =	sdelay $0x4  }
0x1c3: {  	v55 =	vshll.u32 v3, $0x1  }
0x1c4: {  	v3 =	vand.u32 $0x7, v3;
	v4 =	vand.u32 $0xFFFFFFF0, v55  }
0x1c5: {  	v3 =	vor.u32 v3, v4  }
0x1c6: {  	v4 =	vperm.xlane v3, v0;
	_ =	sdelay $0x1  }
0x1c7: {  	v3 =	vperm.xlane v3, v2;
	v4 =	vadd.s32 v1, v4;
	_ =	sdelay $0x1  }
0x1c8: {  	v3 =	vadd.s32 v1, v3;
	_ =	sdelay $0x1  }
0x1c9: {  	s11 =	simm.s32 $0xF400  }
0x1ca: {  	[tilespmem:s11], [sflag:$0x2] =	stream.indirect_vreg.gather [hbm4b:s4+s2], $0x80, v4, vm0, $0xb8;
	[tilespmem:$0x18400] =	vst v63  }
0x1cb: {  	s11 =	simm.s32 $0xFC00  }
0x1cc: {  	[tilespmem:s11], [sflag:$0x2] =	stream.indirect_vreg.gather [hbm4b:s4+s2], $0x80, v3, vm0, $0xb8;
	[tilespmem:$0x18400] =	vst v63  }
0x1cd: {  	_ =	swait.ge [sflag:s7], $0x8000  }
0x1ce: {  	[sflag:s7] =	ssyncset.done $0x0  }
0x1cf: {  	s6 =	rddreg [dreg:$0x4];
	[sflag:s7] =	ssyncadd.s32 $0xFFFF8000  }
0x1d0: {  	[hbm4b:s6+s2] =	stream.linear.scatter [tilespmem:s0], [sflag:$0x6], $0x8000, $0x38;
	[tilespmem:$0x18400] =	vst v63  }
0x1d1: {  	_ =	swait.ge [sflag:s10], $0x8000  }
0x1d2: {  	[sflag:s10] =	ssyncset.done $0x0  }
0x1d3: {  	[sflag:s10] =	ssyncadd.s32 $0xFFFF8000  }
0x1d4: {  	v3 =	vld [tilespmem:$0x280];
	_ =	sdelay $0x4  }
0x1d5: {  	v56 =	vshll.u32 v3, $0x1  }
0x1d6: {  	v3 =	vand.u32 $0x7, v3;
	v4 =	vand.u32 $0xFFFFFFF0, v56  }
0x1d7: {  	v3 =	vor.u32 v3, v4  }
0x1d8: {  	v4 =	vperm.xlane v3, v0;
	_ =	sdelay $0x1  }
0x1d9: {  	v3 =	vperm.xlane v3, v2;
	v4 =	vadd.s32 v1, v4;
	_ =	sdelay $0x1  }
0x1da: {  	v3 =	vadd.s32 v1, v3;
	_ =	sdelay $0x2  }
0x1db: {  	[tilespmem:s0], [sflag:$0x3] =	stream.indirect_vreg.gather [hbm4b:s4+s2], $0x80, v4, vm0, $0xb8;
	[tilespmem:$0x18400] =	vst v63  }
0x1dc: {  	s11 =	simm.s32 $0x10C00  }
0x1dd: {  	[tilespmem:s11], [sflag:$0x3] =	stream.indirect_vreg.gather [hbm4b:s4+s2], $0x80, v3, vm0, $0xb8;
	[tilespmem:$0x18400] =	vst v63  }
0x1de: {  	v3 =	vld [tilespmem:$0x290];
	_ =	sdelay $0x4  }
0x1df: {  	v57 =	vshll.u32 v3, $0x1  }
0x1e0: {  	v3 =	vand.u32 $0x7, v3;
	v4 =	vand.u32 $0xFFFFFFF0, v57  }
0x1e1: {  	v3 =	vor.u32 v3, v4  }
0x1e2: {  	v4 =	vperm.xlane v3, v0;
	_ =	sdelay $0x1  }
0x1e3: {  	v3 =	vperm.xlane v3, v2;
	v4 =	vadd.s32 v1, v4;
	_ =	sdelay $0x1  }
0x1e4: {  	v3 =	vadd.s32 v1, v3;
	_ =	sdelay $0x1  }
0x1e5: {  	s11 =	simm.s32 $0x11400  }
0x1e6: {  	[tilespmem:s11], [sflag:$0x3] =	stream.indirect_vreg.gather [hbm4b:s4+s2], $0x80, v4, vm0, $0xb8;
	[tilespmem:$0x18400] =	vst v63  }
0x1e7: {  	s11 =	simm.s32 $0x11C00  }
0x1e8: {  	[tilespmem:s11], [sflag:$0x3] =	stream.indirect_vreg.gather [hbm4b:s4+s2], $0x80, v3, vm0, $0xb8;
	[tilespmem:$0x18400] =	vst v63  }
0x1e9: {  	v3 =	vld [tilespmem:$0x2A0];
	_ =	sdelay $0x4  }
0x1ea: {  	v58 =	vshll.u32 v3, $0x1  }
0x1eb: {  	v3 =	vand.u32 $0x7, v3;
	v4 =	vand.u32 $0xFFFFFFF0, v58  }
0x1ec: {  	v3 =	vor.u32 v3, v4  }
0x1ed: {  	v4 =	vperm.xlane v3, v0;
	_ =	sdelay $0x1  }
0x1ee: {  	v3 =	vperm.xlane v3, v2;
	v4 =	vadd.s32 v1, v4;
	_ =	sdelay $0x1  }
0x1ef: {  	v3 =	vadd.s32 v1, v3;
	_ =	sdelay $0x1  }
0x1f0: {  	s11 =	simm.s32 $0x12400  }
0x1f1: {  	[tilespmem:s11], [sflag:$0x3] =	stream.indirect_vreg.gather [hbm4b:s4+s2], $0x80, v4, vm0, $0xb8;
	[tilespmem:$0x18400] =	vst v63  }
0x1f2: {  	s11 =	simm.s32 $0x12C00  }
0x1f3: {  	[tilespmem:s11], [sflag:$0x3] =	stream.indirect_vreg.gather [hbm4b:s4+s2], $0x80, v3, vm0, $0xb8;
	[tilespmem:$0x18400] =	vst v63  }
0x1f4: {  	v3 =	vld [tilespmem:$0x2B0];
	_ =	sdelay $0x4  }
0x1f5: {  	v59 =	vshll.u32 v3, $0x1  }
0x1f6: {  	v3 =	vand.u32 $0x7, v3;
	v4 =	vand.u32 $0xFFFFFFF0, v59  }
0x1f7: {  	v3 =	vor.u32 v3, v4  }
0x1f8: {  	v4 =	vperm.xlane v3, v0;
	_ =	sdelay $0x1  }
0x1f9: {  	v3 =	vperm.xlane v3, v2;
	v4 =	vadd.s32 v1, v4;
	_ =	sdelay $0x1  }
0x1fa: {  	v3 =	vadd.s32 v1, v3;
	_ =	sdelay $0x1  }
0x1fb: {  	s11 =	simm.s32 $0x13400  }
0x1fc: {  	[tilespmem:s11], [sflag:$0x3] =	stream.indirect_vreg.gather [hbm4b:s4+s2], $0x80, v4, vm0, $0xb8;
	[tilespmem:$0x18400] =	vst v63  }
0x1fd: {  	s11 =	simm.s32 $0x13C00  }
0x1fe: {  	[tilespmem:s11], [sflag:$0x3] =	stream.indirect_vreg.gather [hbm4b:s4+s2], $0x80, v3, vm0, $0xb8;
	[tilespmem:$0x18400] =	vst v63  }
0x1ff: {  	v3 =	vld [tilespmem:$0x2C0];
	_ =	sdelay $0x4  }
0x200: {  	v60 =	vshll.u32 v3, $0x1  }
0x201: {  	v3 =	vand.u32 $0x7, v3;
	v4 =	vand.u32 $0xFFFFFFF0, v60  }
0x202: {  	v3 =	vor.u32 v3, v4  }
0x203: {  	v4 =	vperm.xlane v3, v0;
	_ =	sdelay $0x1  }
0x204: {  	v3 =	vperm.xlane v3, v2;
	v4 =	vadd.s32 v1, v4;
	_ =	sdelay $0x1  }
0x205: {  	v3 =	vadd.s32 v1, v3;
	_ =	sdelay $0x1  }
0x206: {  	s11 =	simm.s32 $0x14400  }
0x207: {  	[tilespmem:s11], [sflag:$0x3] =	stream.indirect_vreg.gather [hbm4b:s4+s2], $0x80, v4, vm0, $0xb8;
	[tilespmem:$0x18400] =	vst v63  }
0x208: {  	s11 =	simm.s32 $0x14C00  }
0x209: {  	[tilespmem:s11], [sflag:$0x3] =	stream.indirect_vreg.gather [hbm4b:s4+s2], $0x80, v3, vm0, $0xb8;
	[tilespmem:$0x18400] =	vst v63  }
0x20a: {  	v3 =	vld [tilespmem:$0x2D0];
	_ =	sdelay $0x4  }
0x20b: {  	v61 =	vshll.u32 v3, $0x1  }
0x20c: {  	v3 =	vand.u32 $0x7, v3;
	v4 =	vand.u32 $0xFFFFFFF0, v61  }
0x20d: {  	v3 =	vor.u32 v3, v4  }
0x20e: {  	v4 =	vperm.xlane v3, v0;
	_ =	sdelay $0x1  }
0x20f: {  	v3 =	vperm.xlane v3, v2;
	v4 =	vadd.s32 v1, v4;
	_ =	sdelay $0x1  }
0x210: {  	v3 =	vadd.s32 v1, v3;
	_ =	sdelay $0x1  }
0x211: {  	s11 =	simm.s32 $0x15400  }
0x212: {  	[tilespmem:s11], [sflag:$0x3] =	stream.indirect_vreg.gather [hbm4b:s4+s2], $0x80, v4, vm0, $0xb8;
	[tilespmem:$0x18400] =	vst v63  }
0x213: {  	s11 =	simm.s32 $0x15C00  }
0x214: {  	[tilespmem:s11], [sflag:$0x3] =	stream.indirect_vreg.gather [hbm4b:s4+s2], $0x80, v3, vm0, $0xb8;
	[tilespmem:$0x18400] =	vst v63  }
0x215: {  	v3 =	vld [tilespmem:$0x2E0];
	_ =	sdelay $0x4  }
0x216: {  	v62 =	vshll.u32 v3, $0x1  }
0x217: {  	v3 =	vand.u32 $0x7, v3;
	v4 =	vand.u32 $0xFFFFFFF0, v62  }
0x218: {  	v3 =	vor.u32 v3, v4  }
0x219: {  	v4 =	vperm.xlane v3, v0;
	_ =	sdelay $0x1  }
0x21a: {  	v3 =	vperm.xlane v3, v2;
	v4 =	vadd.s32 v1, v4;
	_ =	sdelay $0x1  }
0x21b: {  	v3 =	vadd.s32 v1, v3;
	_ =	sdelay $0x1  }
0x21c: {  	s11 =	simm.s32 $0x16400  }
0x21d: {  	[tilespmem:s11], [sflag:$0x3] =	stream.indirect_vreg.gather [hbm4b:s4+s2], $0x80, v4, vm0, $0xb8;
	[tilespmem:$0x18400] =	vst v63  }
0x21e: {  	s11 =	simm.s32 $0x16C00  }
0x21f: {  	[tilespmem:s11], [sflag:$0x3] =	stream.indirect_vreg.gather [hbm4b:s4+s2], $0x80, v3, vm0, $0xb8;
	[tilespmem:$0x18400] =	vst v63  }
0x220: {  	v3 =	vld [tilespmem:$0x2F0];
	_ =	sdelay $0x4  }
0x221: {  	v63 =	vshll.u32 v3, $0x1  }
0x222: {  	v3 =	vand.u32 $0x7, v3;
	v4 =	vand.u32 $0xFFFFFFF0, v63  }
0x223: {  	v3 =	vor.u32 v3, v4  }
0x224: {  	v4 =	vperm.xlane v3, v0;
	_ =	sdelay $0x1  }
0x225: {  	v3 =	vperm.xlane v3, v2;
	v4 =	vadd.s32 v1, v4;
	_ =	sdelay $0x1  }
0x226: {  	v3 =	vadd.s32 v1, v3;
	_ =	sdelay $0x1  }
0x227: {  	s11 =	simm.s32 $0x17400  }
0x228: {  	[tilespmem:s11], [sflag:$0x3] =	stream.indirect_vreg.gather [hbm4b:s4+s2], $0x80, v4, vm0, $0xb8;
	[tilespmem:$0x18400] =	vst v63  }
0x229: {  	s11 =	simm.s32 $0x17C00  }
0x22a: {  	[tilespmem:s11], [sflag:$0x3] =	stream.indirect_vreg.gather [hbm4b:s4+s2], $0x80, v3, vm0, $0xb8;
	[tilespmem:$0x18400] =	vst v63  }
0x22b: {  	_ =	swait.ge [sflag:s9], $0x8000  }
0x22c: {  	[sflag:s9] =	ssyncset.done $0x0  }
0x22d: {  	s6 =	simm.s32 $0x400;
	s11 =	rddreg [dreg:$0x5];
	[sflag:s9] =	ssyncadd.s32 $0xFFFF8000  }
0x22e: {  	[hbm4b:s11+s2] =	stream.linear.scatter [tilespmem:s6], [sflag:$0x4], $0x8000, $0x38;
	[tilespmem:$0x18400] =	vst v63  }
0x22f: {  	_ =	swait.ge [sflag:s3], $0x8000  }
0x230: {  	[sflag:s3] =	ssyncset.done $0x0  }
0x231: {  	s6 =	rddreg [dreg:$0x6];
	[sflag:s3] =	ssyncadd.s32 $0xFFFF8000  }
0x232: {  	[hbm4b:s6+s2] =	stream.linear.scatter [tilespmem:s14], [sflag:$0x5], $0x8000, $0x38;
	[tilespmem:$0x18400] =	vst v63  }
0x233: {  	_ =	swait.ge [sflag:s7], $0x8000  }
0x234: {  	[sflag:s7] =	ssyncset.done $0x0  }
0x235: {  	s6 =	rddreg [dreg:$0x7];
	[sflag:s7] =	ssyncadd.s32 $0xFFFF8000  }
0x236: {  	[hbm4b:s6+s2] =	stream.linear.scatter [tilespmem:s0], [sflag:$0x6], $0x8000, $0x38;
	[tilespmem:$0x18400] =	vst v63  }
0x237: {  	_ =	swait.ge [sflag:s1], $0x8000  }
0x238: {  	[sflag:s1] =	ssyncset.done $0x0  }
0x239: {  	[sflag:s1] =	ssyncadd.s32 $0xFFFF8000  }
0x23a: {  	p0 =	sne.s32 s5, $0x1;
	_ =	swait.ge [sflag:s12], $0x8000  }
.Ltmp0:
0x23b: {  	[sflag:s12] =	ssyncset.done $0x0;
	(pc) =	sbr.rel @p0 .LBB2_1-.Ltmp0, $4  }
0x23c: {  	[sflag:s12] =	ssyncadd.s32 $0xFFFF8000  }
0x23d: {  	_ =	swait.ge [sflag:s10], $0x8000  }
0x23e: {  	[sflag:s10] =	ssyncset.done $0x0  }
0x23f: {  	s5 =	sadd.s32 $0xFFFFFFFF, s5;
	[sflag:s10] =	ssyncadd.s32 $0xFFFF8000  }
0x240: {  	_ =	sfence.sel $0x180000  }
0x241: {  	[bflag:$0x0] =	sbarrier.arrive $0xFFFF  }
0x242: {  	_ =	strace $0x90000047  }
0x243: {  	s0 =	stileid.u32;
	[bflag:$0x2] =	sbarrier.arrive $0xFFFF  }
0x244: {  	p0 =	sne.s32 s0, $0x0;
	s0 =	rddreg [dreg:$0x1]  }
0x245: {  	s0 =	sadd.s32 @!p0 $0x100000, s0  }
0x246: {  	[sflag:s0] =	ssyncadd.tile.s32 @!p0 $0x1;
	_ =	shalt  }
.Lfunc_end2:
_tile_overlayer_lowered:
.L_overlay_start_2:
0x247: {  	(tag) =	ssettag $0x2  }
0x248: {  	s0 =	rddreg [dreg:$0x0];
	s2 =	stileid.u32  }
0x249: {  	s1 =	rddreg [dreg:$0x1];
	p0 =	sne.s32 s2, $0x0  }
0x24a: {  	s3 =	rddreg [dreg:$0x2];
	[bflag:$0x3] =	sbarrier.arrive $0xFFFF;
	s2 =	simm.s32 @!p0 $0x1C07  }
0x24b: {  	[timem:s3], [sflag:s2] =	dma.local @!p0 [hbm:s0], s1  }
0x24c: {  	s0 =	simm.s32 @!p0 $0x7  }
0x24d: {  	_ =	swait.ge @!p0 [sflag:s0], s1  }
0x24e: {  	s1 =	ssub.s32 @!p0 $0x0, s1;
	[sflag:s0] =	ssyncset.done @!p0 $0x0  }
0x24f: {  	[sflag:s0] =	ssyncadd.s32 @!p0 s1  }
0x250: {  	[bflag:$0x3] =	sbarrier.arrive $0xFFFF  }
0x251: {  	_ =	shalt  }

</sc_bundles>
